<compile_context>
chip_gen: v7x
topology: tpu7x:2x2x1
jax: 0.10.2.dev20260603
libtpu: 0.0.44.dev20260713+nightly
codegen_flags: <defaults>
</compile_context>

<pallas_src>
import functools

import jax
import jax.numpy as jnp
from jax import lax
from jax.experimental import pallas as pl
from jax.experimental.pallas import tpu as pltpu
from jax.experimental.pallas import tpu_sc as plsc

N = 2048
D = 1024
DG = D // 4
DFF = 4096
E = 8
K = 2

BM = 128
NK = N * K
NB = NK // BM + E
P = NB * BM


def _gating_body(x_ref, wg1_ref, bg1_ref, wg2_ref, bg2_ref,
                 gates_ref, ppos_ref, beid_ref, nbt_ref):
    h = jnp.dot(x_ref[...], wg1_ref[...], preferred_element_type=jnp.float32)
    h = jax.nn.gelu(h + bg1_ref[...][None, :])
    logits = jnp.dot(h, wg2_ref[...], preferred_element_type=jnp.float32)
    logits = logits + bg2_ref[...][None, :]
    clean = logits[:, :E]
    m = jnp.max(clean, axis=1, keepdims=True)
    ex = jnp.exp(clean - m)
    probs = ex / jnp.sum(ex, axis=1, keepdims=True)

    iota = lax.broadcasted_iota(jnp.int32, probs.shape, 1)
    big = jnp.int32(1 << 30)
    m1 = jnp.max(probs, axis=1, keepdims=True)
    i1 = jnp.min(jnp.where(probs == m1, iota, big), axis=1, keepdims=True)
    masked = jnp.where(iota == i1, -jnp.inf, probs)
    m2 = jnp.max(masked, axis=1, keepdims=True)
    i2 = jnp.min(jnp.where(masked == m2, iota, big), axis=1, keepdims=True)
    gates_ref[...] = jnp.concatenate([m1, m2], axis=1)

    oh0 = (iota == i1).astype(jnp.float32)
    oh1 = (iota == i2).astype(jnp.float32)
    a = oh0 + oh1
    cum = a
    s = 1
    while s < N:
        cum = cum + jnp.concatenate(
            [jnp.zeros((s, E), jnp.float32), cum[:-s, :]], axis=0)
        s *= 2
    cum = cum - a
    counts = jnp.sum(a, axis=0, keepdims=True)
    nb = jnp.floor_divide(counts.astype(jnp.int32) + (BM - 1), BM)
    tri8 = (lax.broadcasted_iota(jnp.int32, (E, E), 0)
            <= lax.broadcasted_iota(jnp.int32, (E, E), 1)).astype(jnp.float32)
    nbcum = jnp.dot(nb.astype(jnp.float32), tri8,
                    preferred_element_type=jnp.float32).astype(jnp.int32)
    nb_total = jnp.max(nbcum, axis=1, keepdims=True)
    pstart = (nbcum - nb) * BM
    base0 = cum + pstart.astype(jnp.float32)
    p0 = jnp.sum(base0 * oh0, axis=1, keepdims=True)
    p1 = jnp.sum(base0 * oh1, axis=1, keepdims=True)
    ppos_ref[...] = jnp.concatenate([p0, p1], axis=1).astype(jnp.int32)

    bids = lax.broadcasted_iota(jnp.int32, (NB, E), 0)
    raw = jnp.sum((bids >= nbcum[0][None, :]).astype(jnp.int32), axis=1,
                  keepdims=True)
    eiota = lax.broadcasted_iota(jnp.int32, (1, E), 1)
    last_used = jnp.max(jnp.where(counts > 0, eiota, 0))
    beid_ref[...] = jnp.minimum(raw, last_used)
    nbt_ref[...] = nb_total


def _gating(x, Wg1, bg1, Wg2, bg2):
    return pl.pallas_call(
        _gating_body,
        out_shape=(
            jax.ShapeDtypeStruct((N, K), jnp.float32),
            jax.ShapeDtypeStruct((N, K), jnp.int32),
            jax.ShapeDtypeStruct((NB, 1), jnp.int32),
            jax.ShapeDtypeStruct((1, 1), jnp.int32),
        ),
    )(x, Wg1, bg1, Wg2, bg2)


_info = plsc.get_sparse_core_info()
_NC, _NS = _info.num_cores, _info.num_subcores
_NW = _NC * _NS
_CH = 64


def _dispatch(x, srcids, ppos):
    mesh = plsc.VectorSubcoreMesh(core_axis_name="c", subcore_axis_name="s")
    n_iter = NK // (_NW * _CH)

    @functools.partial(
        pl.kernel, mesh=mesh,
        out_type=jax.ShapeDtypeStruct((P, D), jnp.float32),
        scratch_types=[
            pltpu.VMEM((_CH,), jnp.int32),
            pltpu.VMEM((_CH,), jnp.int32),
            pltpu.VMEM((_CH, D), jnp.float32),
            pltpu.SemaphoreType.DMA,
            pltpu.SemaphoreType.DMA,
        ],
    )
    def body(x_hbm, src_hbm, pos_hbm, xs_hbm, src_v, pos_v, rows_v, s1, s2):
        wid = lax.axis_index("s") * _NC + lax.axis_index("c")
        for j in range(n_iter):
            base = (wid * n_iter + j) * _CH
            pltpu.sync_copy(src_hbm.at[pl.ds(base, _CH)], src_v)
            pltpu.sync_copy(pos_hbm.at[pl.ds(base, _CH)], pos_v)
            pltpu.async_copy(x_hbm.at[src_v], rows_v, s1).wait()
            pltpu.async_copy(rows_v, xs_hbm.at[pos_v], s2).wait()

    return body(x, srcids, ppos)


T = 2
DFH = DFF // T


def _ffn_body(eid_ref, nbt_ref, xs_ref, w1_ref, b1_ref, w2_ref, b2_ref,
              ys_ref, acc_ref):
    t = pl.program_id(0)
    b = pl.program_id(1)

    @pl.when(b < nbt_ref[0])
    def _():
        h = jnp.dot(xs_ref[...], w1_ref[0], preferred_element_type=jnp.float32)
        h = jax.nn.gelu(h + b1_ref[0])
        part = jnp.dot(h, w2_ref[0], preferred_element_type=jnp.float32)

        @pl.when(t == 0)
        def _():
            acc_ref[pl.ds(b * BM, BM), :] = part

        @pl.when(jnp.logical_and(t > 0, t < T - 1))
        def _():
            acc_ref[pl.ds(b * BM, BM), :] += part

        @pl.when(t == T - 1)
        def _():
            ys_ref[...] = acc_ref[pl.ds(b * BM, BM), :] + part + b2_ref[0]


def _ffn(xs, W1, b1, W2, b2, block_eid, nb_total):
    nbt = jnp.reshape(nb_total, (1,))
    spec = pltpu.PrefetchScalarGridSpec(
        num_scalar_prefetch=2,
        grid=(T, NB),
        in_specs=[
            pl.BlockSpec((BM, D), lambda t, b, eid, nbt: (b, 0)),
            pl.BlockSpec((1, D, DFH), lambda t, b, eid, nbt: (eid[b], 0, t)),
            pl.BlockSpec((1, 1, DFH), lambda t, b, eid, nbt: (eid[b], 0, t)),
            pl.BlockSpec((1, DFH, D), lambda t, b, eid, nbt: (eid[b], t, 0)),
            pl.BlockSpec((1, 1, D), lambda t, b, eid, nbt: (eid[b], 0, 0)),
        ],
        out_specs=pl.BlockSpec(
            (BM, D), lambda t, b, eid, nbt: (jnp.where(t == T - 1, b, 0), 0)),
        scratch_shapes=[pltpu.VMEM((P, D), jnp.float32)],
    )
    return pl.pallas_call(
        _ffn_body,
        grid_spec=spec,
        out_shape=jax.ShapeDtypeStruct((P, D), jnp.float32),
        compiler_params=pltpu.CompilerParams(
            vmem_limit_bytes=64 * 1024 * 1024,
        ),
    )(block_eid, nbt, xs, W1, b1.reshape(E, 1, DFF), W2, b2.reshape(E, 1, D))


def _combine_gather(ys, posA, posB):
    mesh = plsc.VectorSubcoreMesh(core_axis_name="c", subcore_axis_name="s")
    tpw = N // _NW

    @functools.partial(
        pl.kernel, mesh=mesh,
        out_type=(
            jax.ShapeDtypeStruct((N, D), jnp.float32),
            jax.ShapeDtypeStruct((N, D), jnp.float32),
        ),
        scratch_types=[
            pltpu.VMEM((tpw,), jnp.int32),
            pltpu.VMEM((tpw, D), jnp.float32),
            pltpu.SemaphoreType.DMA,
        ],
    )
    def body(ys_hbm, pa_hbm, pb_hbm, ya_hbm, yb_hbm, idx_v, rows_v, sem):
        wid = lax.axis_index("s") * _NC + lax.axis_index("c")
        base = wid * tpw
        pltpu.sync_copy(pa_hbm.at[pl.ds(base, tpw)], idx_v)
        pltpu.async_copy(ys_hbm.at[idx_v], rows_v, sem).wait()
        pltpu.sync_copy(rows_v, ya_hbm.at[pl.ds(base, tpw)])
        pltpu.sync_copy(pb_hbm.at[pl.ds(base, tpw)], idx_v)
        pltpu.async_copy(ys_hbm.at[idx_v], rows_v, sem).wait()
        pltpu.sync_copy(rows_v, yb_hbm.at[pl.ds(base, tpw)])

    return body(ys, posA, posB)


def _combine_body(g_ref, ya_ref, yb_ref, o_ref):
    g = g_ref[...]
    o_ref[...] = g[:, 0:1] * ya_ref[...] + g[:, 1:2] * yb_ref[...]


def _combine(gates, yA, yB):
    bn = 256
    return pl.pallas_call(
        _combine_body,
        grid=(N // bn,),
        in_specs=[
            pl.BlockSpec((bn, K), lambda i: (i, 0)),
            pl.BlockSpec((bn, D), lambda i: (i, 0)),
            pl.BlockSpec((bn, D), lambda i: (i, 0)),
        ],
        out_specs=pl.BlockSpec((bn, D), lambda i: (i, 0)),
        out_shape=jax.ShapeDtypeStruct((N, D), jnp.float32),
    )(gates, yA, yB)


def kernel(x, Wg1, bg1, Wg2, bg2, W1, b1, W2, b2, task_bh):
    gates, pos2, beid, nbt = _gating(x, Wg1, bg1, Wg2, bg2)
    block_eid = beid.reshape(NB)
    nb_total = nbt.reshape(1)
    ppos = pos2.reshape(NK)
    srcids = jnp.arange(NK, dtype=jnp.int32) // K
    xs = _dispatch(x, srcids, ppos)
    ys = _ffn(xs, W1, b1, W2, b2, block_eid, nb_total)
    yA, yB = _combine_gather(ys, pos2[:, 0], pos2[:, 1])
    return _combine(gates, yA, yB)

# --- scband reference (transcript-rebuilt; emitter-appended) ---
"""Pipeline reference for scband-mo-e-50216757625284 (READ-ONLY COPY).

The authoritative reference and input builder live on the scoring server;
editing this copy changes nothing except your own understanding.
"""

import jax, jax.numpy as jnp
import numpy as np

N = 2048      # tokens (batch=1 * seq_len=2048)
D = 1024      # d_model (gate/expert input/output size)
DG = D // 4   # gate hidden dim
DFF = 4096    # expert FFN hidden dim
E = 8         # num experts
K = 2         # top-k


def setup_inputs(seed: int = 0) -> dict:
    key = jax.random.key(seed)
    ks = jax.random.split(key, 10)
    x = jax.random.normal(ks[0], (N, D), dtype=jnp.float32)
    # gate network: Linear(D, D//4) -> GELU -> Linear(D//4, 2E) (noisy gating => 2E logits)
    Wg1 = jax.random.normal(ks[1], (D, DG), dtype=jnp.float32) / np.sqrt(D)
    bg1 = jnp.zeros((DG,), dtype=jnp.float32)
    Wg2 = jax.random.normal(ks[2], (DG, 2 * E), dtype=jnp.float32) * 0.02
    bg2 = jnp.zeros((2 * E,), dtype=jnp.float32)
    # E cloned expert FFNs: Linear(D, DFF) -> GELU -> Linear(DFF, D)
    W1 = jax.random.normal(ks[3], (E, D, DFF), dtype=jnp.float32) / np.sqrt(D)
    b1 = jnp.zeros((E, DFF), dtype=jnp.float32)
    W2 = jax.random.normal(ks[4], (E, DFF, D), dtype=jnp.float32) / np.sqrt(DFF)
    b2 = jnp.zeros((E, D), dtype=jnp.float32)
    task_bh = 0
    return {"x": x, "Wg1": Wg1, "bg1": bg1, "Wg2": Wg2, "bg2": bg2,
            "W1": W1, "b1": b1, "W2": W2, "b2": b2, "task_bh": task_bh}


def reference(x, Wg1, bg1, Wg2, bg2, W1, b1, W2, b2, task_bh):
    n = x.shape[0]
    # router (f_gate[task_bh]); eval mode: use clean logits (first E of 2E noisy-gating outputs)
    h = jax.nn.gelu(x @ Wg1 + bg1)
    logits = h @ Wg2 + bg2
    clean_logits = logits[:, :E]
    probs = jax.nn.softmax(clean_logits, axis=-1)
    # top-k gating: scatter top-k probs into dense [N, E] gates (compute_gating equivalent)
    top_k_gates, top_k_indices = jax.lax.top_k(probs, K)
    gates = jnp.zeros_like(probs).at[jnp.arange(n)[:, None], top_k_indices].set(top_k_gates)
    # expert dispatch/combine (mathematically identical to ParallelExperts gather->FFN->scatter):
    # out[i] = sum_e gates[i, e] * FFN_e(x[i]); gates is zero outside top-k
    h1 = jax.nn.gelu(jnp.einsum('nd,edf->enf', x, W1) + b1[:, None, :])
    ye = jnp.einsum('enf,efd->end', h1, W2) + b2[:, None, :]
    out = jnp.einsum('ne,end->nd', gates, ye)
    return out

if __name__ == "__main__":
    import jax
    _d = setup_inputs()
    print(jax.jit(kernel)(*tuple(_d.values())))

</pallas_src>

<mosaic_0001>
#map = affine_map<(d0, d1) -> (0, 0)>
#map1 = affine_map<(d0, d1) -> (0)>
module attributes {stable_mosaic.version = 14 : i64} {
  func.func @body(%arg0: i32, %arg1: i32, %arg2: memref<2048x1024xf32, #tpu.memory_space<hbm>>, %arg3: memref<4096xi32, #tpu.memory_space<hbm>>, %arg4: memref<4096xi32, #tpu.memory_space<hbm>>, %arg5: memref<5120x1024xf32, #tpu.memory_space<hbm>>, %arg6: memref<64xi32, #tpu.memory_space<vmem>>, %arg7: memref<64xi32, #tpu.memory_space<vmem>>, %arg8: memref<64x1024xf32, #tpu.memory_space<vmem>>, %arg9: memref<!tpu.dma_semaphore, #tpu.memory_space<semaphore_mem>>, %arg10: memref<!tpu.dma_semaphore, #tpu.memory_space<semaphore_mem>>) attributes {dimension_semantics = [#tpu.dimension_semantics<core_parallel>, #tpu.dimension_semantics<subcore_parallel>], iteration_bounds = array<i64: 2, 16>, scalar_prefetch = 0 : i64, scratch_operands = 5 : i64, tpu.core_type = #tpu.core_type<sc_vector_subcore>, window_params = [{transform_indices = #map}, {transform_indices = #map1}, {transform_indices = #map1}, {transform_indices = #map}]} {
    %mul3A = arith.constant 2 : i32
    %mul3A_0 = arith.muli %arg1, %mul3A : i32
    %add3A = arith.addi %mul3A_0, %arg0 : i32
    %mul3A_1 = arith.constant 2 : i32
    %mul3A_2 = arith.muli %add3A, %mul3A_1 : i32
    %add3A_3 = arith.constant 0 : i32
    %add3A_4 = arith.addi %mul3A_2, %add3A_3 : i32
    %mul3A_5 = arith.constant 64 : i32
    %mul3A_6 = arith.muli %add3A_4, %mul3A_5 : i32
    "tpu.region"() ({
      %run_scoped3A = tpu.sem_alloc : memref<!tpu.dma_semaphore, #tpu.memory_space<semaphore_mem>>
      %dma_start3A_35 = tpu.memref_slice %arg3[%mul3A_6] : memref<4096xi32, #tpu.memory_space<hbm>> -> memref<64xi32, #tpu.memory_space<hbm>>
      %dma_start3A_36 = tpu.memref_slice %arg3[%mul3A_6] : memref<4096xi32, #tpu.memory_space<hbm>> -> memref<64xi32, #tpu.memory_space<hbm>>
      tpu.enqueue_dma source(%dma_start3A_36 : memref<64xi32, #tpu.memory_space<hbm>>) target(%arg6 : memref<64xi32, #tpu.memory_space<vmem>>) target_semaphore(%run_scoped3A : memref<!tpu.dma_semaphore, #tpu.memory_space<semaphore_mem>>)
      %dma_wait3A_37 = tpu.memref_slice %arg3[%mul3A_6] : memref<4096xi32, #tpu.memory_space<hbm>> -> memref<64xi32, #tpu.memory_space<hbm>>
      %dma_wait3A_38 = tpu.memref_slice %arg3[%mul3A_6] : memref<4096xi32, #tpu.memory_space<hbm>> -> memref<64xi32, #tpu.memory_space<hbm>>
      tpu.wait_dma2 semaphore(%run_scoped3A : memref<!tpu.dma_semaphore, #tpu.memory_space<semaphore_mem>>) src(%dma_wait3A_38 : memref<64xi32, #tpu.memory_space<hbm>>) dst(%arg6 : memref<64xi32, #tpu.memory_space<vmem>>)
      tpu.yield
    }) : () -> ()
    "tpu.region"() ({
      %run_scoped3A = tpu.sem_alloc : memref<!tpu.dma_semaphore, #tpu.memory_space<semaphore_mem>>
      %dma_start3A_35 = tpu.memref_slice %arg4[%mul3A_6] : memref<4096xi32, #tpu.memory_space<hbm>> -> memref<64xi32, #tpu.memory_space<hbm>>
      %dma_start3A_36 = tpu.memref_slice %arg4[%mul3A_6] : memref<4096xi32, #tpu.memory_space<hbm>> -> memref<64xi32, #tpu.memory_space<hbm>>
      tpu.enqueue_dma source(%dma_start3A_36 : memref<64xi32, #tpu.memory_space<hbm>>) target(%arg7 : memref<64xi32, #tpu.memory_space<vmem>>) target_semaphore(%run_scoped3A : memref<!tpu.dma_semaphore, #tpu.memory_space<semaphore_mem>>)
      %dma_wait3A_37 = tpu.memref_slice %arg4[%mul3A_6] : memref<4096xi32, #tpu.memory_space<hbm>> -> memref<64xi32, #tpu.memory_space<hbm>>
      %dma_wait3A_38 = tpu.memref_slice %arg4[%mul3A_6] : memref<4096xi32, #tpu.memory_space<hbm>> -> memref<64xi32, #tpu.memory_space<hbm>>
      tpu.wait_dma2 semaphore(%run_scoped3A : memref<!tpu.dma_semaphore, #tpu.memory_space<semaphore_mem>>) src(%dma_wait3A_38 : memref<64xi32, #tpu.memory_space<hbm>>) dst(%arg7 : memref<64xi32, #tpu.memory_space<vmem>>)
      tpu.yield
    }) : () -> ()
    %dma_start3A = arith.constant 0 : i32
    %dma_start3A_7 = arith.constant 0 : i32
    %dma_start3A_8 = tpu.memref_slice %arg2[%dma_start3A, %dma_start3A_7] : memref<2048x1024xf32, #tpu.memory_space<hbm>> -> memref<2048x1024xf32, #tpu.memory_space<hbm>>
    tpu.enqueue_indirect_dma source(%dma_start3A_8 : memref<2048x1024xf32, #tpu.memory_space<hbm>>) target(%arg8 : memref<64x1024xf32, #tpu.memory_space<vmem>>) offsets(%arg6 : memref<64xi32, #tpu.memory_space<vmem>>) semaphore(%arg9 : memref<!tpu.dma_semaphore, #tpu.memory_space<semaphore_mem>>)
    %dma_wait3A = arith.constant 0 : i32
    %dma_wait3A_9 = arith.constant 0 : i32
    %dma_wait3A_10 = tpu.memref_slice %arg2[%dma_wait3A, %dma_wait3A_9] : memref<2048x1024xf32, #tpu.memory_space<hbm>> -> memref<2048x1024xf32, #tpu.memory_space<hbm>>
    tpu.wait_indirect_dma semaphore(%arg9 : memref<!tpu.dma_semaphore, #tpu.memory_space<semaphore_mem>>) src(%dma_wait3A_10 : memref<2048x1024xf32, #tpu.memory_space<hbm>>) dst(%arg8 : memref<64x1024xf32, #tpu.memory_space<vmem>>)
    %dma_start3A_11 = arith.constant 0 : i32
    %dma_start3A_12 = arith.constant 0 : i32
    %dma_start3A_13 = tpu.memref_slice %arg5[%dma_start3A_11, %dma_start3A_12] : memref<5120x1024xf32, #tpu.memory_space<hbm>> -> memref<5120x1024xf32, #tpu.memory_space<hbm>>
    tpu.enqueue_indirect_dma source(%arg8 : memref<64x1024xf32, #tpu.memory_space<vmem>>) target(%dma_start3A_13 : memref<5120x1024xf32, #tpu.memory_space<hbm>>) offsets(%arg7 : memref<64xi32, #tpu.memory_space<vmem>>) semaphore(%arg10 : memref<!tpu.dma_semaphore, #tpu.memory_space<semaphore_mem>>)
    %dma_wait3A_14 = arith.constant 0 : i32
    %dma_wait3A_15 = arith.constant 0 : i32
    %dma_wait3A_16 = tpu.memref_slice %arg5[%dma_wait3A_14, %dma_wait3A_15] : memref<5120x1024xf32, #tpu.memory_space<hbm>> -> memref<5120x1024xf32, #tpu.memory_space<hbm>>
    tpu.wait_indirect_dma semaphore(%arg10 : memref<!tpu.dma_semaphore, #tpu.memory_space<semaphore_mem>>) src(%arg8 : memref<64x1024xf32, #tpu.memory_space<vmem>>) dst(%dma_wait3A_16 : memref<5120x1024xf32, #tpu.memory_space<hbm>>)
    %mul3A_17 = arith.constant 2 : i32
    %mul3A_18 = arith.muli %add3A, %mul3A_17 : i32
    %add3A_19 = arith.constant 1 : i32
    %add3A_20 = arith.addi %mul3A_18, %add3A_19 : i32
    %mul3A_21 = arith.constant 64 : i32
    %mul3A_22 = arith.muli %add3A_20, %mul3A_21 : i32
    "tpu.region"() ({
      %run_scoped3A = tpu.sem_alloc : memref<!tpu.dma_semaphore, #tpu.memory_space<semaphore_mem>>
      %dma_start3A_35 = tpu.memref_slice %arg3[%mul3A_22] : memref<4096xi32, #tpu.memory_space<hbm>> -> memref<64xi32, #tpu.memory_space<hbm>>
      %dma_start3A_36 = tpu.memref_slice %arg3[%mul3A_22] : memref<4096xi32, #tpu.memory_space<hbm>> -> memref<64xi32, #tpu.memory_space<hbm>>
      tpu.enqueue_dma source(%dma_start3A_36 : memref<64xi32, #tpu.memory_space<hbm>>) target(%arg6 : memref<64xi32, #tpu.memory_space<vmem>>) target_semaphore(%run_scoped3A : memref<!tpu.dma_semaphore, #tpu.memory_space<semaphore_mem>>)
      %dma_wait3A_37 = tpu.memref_slice %arg3[%mul3A_22] : memref<4096xi32, #tpu.memory_space<hbm>> -> memref<64xi32, #tpu.memory_space<hbm>>
      %dma_wait3A_38 = tpu.memref_slice %arg3[%mul3A_22] : memref<4096xi32, #tpu.memory_space<hbm>> -> memref<64xi32, #tpu.memory_space<hbm>>
      tpu.wait_dma2 semaphore(%run_scoped3A : memref<!tpu.dma_semaphore, #tpu.memory_space<semaphore_mem>>) src(%dma_wait3A_38 : memref<64xi32, #tpu.memory_space<hbm>>) dst(%arg6 : memref<64xi32, #tpu.memory_space<vmem>>)
      tpu.yield
    }) : () -> ()
    "tpu.region"() ({
      %run_scoped3A = tpu.sem_alloc : memref<!tpu.dma_semaphore, #tpu.memory_space<semaphore_mem>>
      %dma_start3A_35 = tpu.memref_slice %arg4[%mul3A_22] : memref<4096xi32, #tpu.memory_space<hbm>> -> memref<64xi32, #tpu.memory_space<hbm>>
      %dma_start3A_36 = tpu.memref_slice %arg4[%mul3A_22] : memref<4096xi32, #tpu.memory_space<hbm>> -> memref<64xi32, #tpu.memory_space<hbm>>
      tpu.enqueue_dma source(%dma_start3A_36 : memref<64xi32, #tpu.memory_space<hbm>>) target(%arg7 : memref<64xi32, #tpu.memory_space<vmem>>) target_semaphore(%run_scoped3A : memref<!tpu.dma_semaphore, #tpu.memory_space<semaphore_mem>>)
      %dma_wait3A_37 = tpu.memref_slice %arg4[%mul3A_22] : memref<4096xi32, #tpu.memory_space<hbm>> -> memref<64xi32, #tpu.memory_space<hbm>>
      %dma_wait3A_38 = tpu.memref_slice %arg4[%mul3A_22] : memref<4096xi32, #tpu.memory_space<hbm>> -> memref<64xi32, #tpu.memory_space<hbm>>
      tpu.wait_dma2 semaphore(%run_scoped3A : memref<!tpu.dma_semaphore, #tpu.memory_space<semaphore_mem>>) src(%dma_wait3A_38 : memref<64xi32, #tpu.memory_space<hbm>>) dst(%arg7 : memref<64xi32, #tpu.memory_space<vmem>>)
      tpu.yield
    }) : () -> ()
    %dma_start3A_23 = arith.constant 0 : i32
    %dma_start3A_24 = arith.constant 0 : i32
    %dma_start3A_25 = tpu.memref_slice %arg2[%dma_start3A_23, %dma_start3A_24] : memref<2048x1024xf32, #tpu.memory_space<hbm>> -> memref<2048x1024xf32, #tpu.memory_space<hbm>>
    tpu.enqueue_indirect_dma source(%dma_start3A_25 : memref<2048x1024xf32, #tpu.memory_space<hbm>>) target(%arg8 : memref<64x1024xf32, #tpu.memory_space<vmem>>) offsets(%arg6 : memref<64xi32, #tpu.memory_space<vmem>>) semaphore(%arg9 : memref<!tpu.dma_semaphore, #tpu.memory_space<semaphore_mem>>)
    %dma_wait3A_26 = arith.constant 0 : i32
    %dma_wait3A_27 = arith.constant 0 : i32
    %dma_wait3A_28 = tpu.memref_slice %arg2[%dma_wait3A_26, %dma_wait3A_27] : memref<2048x1024xf32, #tpu.memory_space<hbm>> -> memref<2048x1024xf32, #tpu.memory_space<hbm>>
    tpu.wait_indirect_dma semaphore(%arg9 : memref<!tpu.dma_semaphore, #tpu.memory_space<semaphore_mem>>) src(%dma_wait3A_28 : memref<2048x1024xf32, #tpu.memory_space<hbm>>) dst(%arg8 : memref<64x1024xf32, #tpu.memory_space<vmem>>)
    %dma_start3A_29 = arith.constant 0 : i32
    %dma_start3A_30 = arith.constant 0 : i32
    %dma_start3A_31 = tpu.memref_slice %arg5[%dma_start3A_29, %dma_start3A_30] : memref<5120x1024xf32, #tpu.memory_space<hbm>> -> memref<5120x1024xf32, #tpu.memory_space<hbm>>
    tpu.enqueue_indirect_dma source(%arg8 : memref<64x1024xf32, #tpu.memory_space<vmem>>) target(%dma_start3A_31 : memref<5120x1024xf32, #tpu.memory_space<hbm>>) offsets(%arg7 : memref<64xi32, #tpu.memory_space<vmem>>) semaphore(%arg10 : memref<!tpu.dma_semaphore, #tpu.memory_space<semaphore_mem>>)
    %dma_wait3A_32 = arith.constant 0 : i32
    %dma_wait3A_33 = arith.constant 0 : i32
    %dma_wait3A_34 = tpu.memref_slice %arg5[%dma_wait3A_32, %dma_wait3A_33] : memref<5120x1024xf32, #tpu.memory_space<hbm>> -> memref<5120x1024xf32, #tpu.memory_space<hbm>>
    tpu.wait_indirect_dma semaphore(%arg10 : memref<!tpu.dma_semaphore, #tpu.memory_space<semaphore_mem>>) src(%arg8 : memref<64x1024xf32, #tpu.memory_space<vmem>>) dst(%dma_wait3A_34 : memref<5120x1024xf32, #tpu.memory_space<hbm>>)
    return
  }
}

#map = affine_map<(d0, d1) -> (0, 0)>
#map1 = affine_map<(d0, d1) -> (0)>
module attributes {stable_mosaic.version = 14 : i64} {
  func.func @body(%arg0: i32, %arg1: i32, %arg2: memref<5120x1024xf32, #tpu.memory_space<hbm>>, %arg3: memref<2048xi32, #tpu.memory_space<hbm>>, %arg4: memref<2048xi32, #tpu.memory_space<hbm>>, %arg5: memref<2048x1024xf32, #tpu.memory_space<hbm>>, %arg6: memref<2048x1024xf32, #tpu.memory_space<hbm>>, %arg7: memref<64xi32, #tpu.memory_space<vmem>>, %arg8: memref<64x1024xf32, #tpu.memory_space<vmem>>, %arg9: memref<!tpu.dma_semaphore, #tpu.memory_space<semaphore_mem>>) attributes {dimension_semantics = [#tpu.dimension_semantics<core_parallel>, #tpu.dimension_semantics<subcore_parallel>], iteration_bounds = array<i64: 2, 16>, scalar_prefetch = 0 : i64, scratch_operands = 3 : i64, tpu.core_type = #tpu.core_type<sc_vector_subcore>, window_params = [{transform_indices = #map}, {transform_indices = #map1}, {transform_indices = #map1}, {transform_indices = #map}, {transform_indices = #map}]} {
    %mul3A = arith.constant 2 : i32
    %mul3A_0 = arith.muli %arg1, %mul3A : i32
    %add3A = arith.addi %mul3A_0, %arg0 : i32
    %mul3A_1 = arith.constant 64 : i32
    %mul3A_2 = arith.muli %add3A, %mul3A_1 : i32
    "tpu.region"() ({
      %run_scoped3A = tpu.sem_alloc : memref<!tpu.dma_semaphore, #tpu.memory_space<semaphore_mem>>
      %dma_start3A_13 = tpu.memref_slice %arg3[%mul3A_2] : memref<2048xi32, #tpu.memory_space<hbm>> -> memref<64xi32, #tpu.memory_space<hbm>>
      %dma_start3A_14 = tpu.memref_slice %arg3[%mul3A_2] : memref<2048xi32, #tpu.memory_space<hbm>> -> memref<64xi32, #tpu.memory_space<hbm>>
      tpu.enqueue_dma source(%dma_start3A_14 : memref<64xi32, #tpu.memory_space<hbm>>) target(%arg7 : memref<64xi32, #tpu.memory_space<vmem>>) target_semaphore(%run_scoped3A : memref<!tpu.dma_semaphore, #tpu.memory_space<semaphore_mem>>)
      %dma_wait3A_15 = tpu.memref_slice %arg3[%mul3A_2] : memref<2048xi32, #tpu.memory_space<hbm>> -> memref<64xi32, #tpu.memory_space<hbm>>
      %dma_wait3A_16 = tpu.memref_slice %arg3[%mul3A_2] : memref<2048xi32, #tpu.memory_space<hbm>> -> memref<64xi32, #tpu.memory_space<hbm>>
      tpu.wait_dma2 semaphore(%run_scoped3A : memref<!tpu.dma_semaphore, #tpu.memory_space<semaphore_mem>>) src(%dma_wait3A_16 : memref<64xi32, #tpu.memory_space<hbm>>) dst(%arg7 : memref<64xi32, #tpu.memory_space<vmem>>)
      tpu.yield
    }) : () -> ()
    %dma_start3A = arith.constant 0 : i32
    %dma_start3A_3 = arith.constant 0 : i32
    %dma_start3A_4 = tpu.memref_slice %arg2[%dma_start3A, %dma_start3A_3] : memref<5120x1024xf32, #tpu.memory_space<hbm>> -> memref<5120x1024xf32, #tpu.memory_space<hbm>>
    tpu.enqueue_indirect_dma source(%dma_start3A_4 : memref<5120x1024xf32, #tpu.memory_space<hbm>>) target(%arg8 : memref<64x1024xf32, #tpu.memory_space<vmem>>) offsets(%arg7 : memref<64xi32, #tpu.memory_space<vmem>>) semaphore(%arg9 : memref<!tpu.dma_semaphore, #tpu.memory_space<semaphore_mem>>)
    %dma_wait3A = arith.constant 0 : i32
    %dma_wait3A_5 = arith.constant 0 : i32
    %dma_wait3A_6 = tpu.memref_slice %arg2[%dma_wait3A, %dma_wait3A_5] : memref<5120x1024xf32, #tpu.memory_space<hbm>> -> memref<5120x1024xf32, #tpu.memory_space<hbm>>
    tpu.wait_indirect_dma semaphore(%arg9 : memref<!tpu.dma_semaphore, #tpu.memory_space<semaphore_mem>>) src(%dma_wait3A_6 : memref<5120x1024xf32, #tpu.memory_space<hbm>>) dst(%arg8 : memref<64x1024xf32, #tpu.memory_space<vmem>>)
    "tpu.region"() ({
      %run_scoped3A = tpu.sem_alloc : memref<!tpu.dma_semaphore, #tpu.memory_space<semaphore_mem>>
      %dma_start3A_13 = arith.constant 0 : i32
      %dma_start3A_14 = tpu.memref_slice %arg5[%mul3A_2, %dma_start3A_13] : memref<2048x1024xf32, #tpu.memory_space<hbm>> -> memref<64x1024xf32, #tpu.memory_space<hbm>>
      %dma_start3A_15 = arith.constant 0 : i32
      %dma_start3A_16 = tpu.memref_slice %arg5[%mul3A_2, %dma_start3A_15] : memref<2048x1024xf32, #tpu.memory_space<hbm>> -> memref<64x1024xf32, #tpu.memory_space<hbm>>
      tpu.enqueue_dma source(%arg8 : memref<64x1024xf32, #tpu.memory_space<vmem>>) target(%dma_start3A_16 : memref<64x1024xf32, #tpu.memory_space<hbm>>) target_semaphore(%run_scoped3A : memref<!tpu.dma_semaphore, #tpu.memory_space<semaphore_mem>>)
      %dma_wait3A_17 = arith.constant 0 : i32
      %dma_wait3A_18 = tpu.memref_slice %arg5[%mul3A_2, %dma_wait3A_17] : memref<2048x1024xf32, #tpu.memory_space<hbm>> -> memref<64x1024xf32, #tpu.memory_space<hbm>>
      %dma_wait3A_19 = arith.constant 0 : i32
      %dma_wait3A_20 = tpu.memref_slice %arg5[%mul3A_2, %dma_wait3A_19] : memref<2048x1024xf32, #tpu.memory_space<hbm>> -> memref<64x1024xf32, #tpu.memory_space<hbm>>
      tpu.wait_dma2 semaphore(%run_scoped3A : memref<!tpu.dma_semaphore, #tpu.memory_space<semaphore_mem>>) src(%arg8 : memref<64x1024xf32, #tpu.memory_space<vmem>>) dst(%dma_wait3A_20 : memref<64x1024xf32, #tpu.memory_space<hbm>>)
      tpu.yield
    }) : () -> ()
    "tpu.region"() ({
      %run_scoped3A = tpu.sem_alloc : memref<!tpu.dma_semaphore, #tpu.memory_space<semaphore_mem>>
      %dma_start3A_13 = tpu.memref_slice %arg4[%mul3A_2] : memref<2048xi32, #tpu.memory_space<hbm>> -> memref<64xi32, #tpu.memory_space<hbm>>
      %dma_start3A_14 = tpu.memref_slice %arg4[%mul3A_2] : memref<2048xi32, #tpu.memory_space<hbm>> -> memref<64xi32, #tpu.memory_space<hbm>>
      tpu.enqueue_dma source(%dma_start3A_14 : memref<64xi32, #tpu.memory_space<hbm>>) target(%arg7 : memref<64xi32, #tpu.memory_space<vmem>>) target_semaphore(%run_scoped3A : memref<!tpu.dma_semaphore, #tpu.memory_space<semaphore_mem>>)
      %dma_wait3A_15 = tpu.memref_slice %arg4[%mul3A_2] : memref<2048xi32, #tpu.memory_space<hbm>> -> memref<64xi32, #tpu.memory_space<hbm>>
      %dma_wait3A_16 = tpu.memref_slice %arg4[%mul3A_2] : memref<2048xi32, #tpu.memory_space<hbm>> -> memref<64xi32, #tpu.memory_space<hbm>>
      tpu.wait_dma2 semaphore(%run_scoped3A : memref<!tpu.dma_semaphore, #tpu.memory_space<semaphore_mem>>) src(%dma_wait3A_16 : memref<64xi32, #tpu.memory_space<hbm>>) dst(%arg7 : memref<64xi32, #tpu.memory_space<vmem>>)
      tpu.yield
    }) : () -> ()
    %dma_start3A_7 = arith.constant 0 : i32
    %dma_start3A_8 = arith.constant 0 : i32
    %dma_start3A_9 = tpu.memref_slice %arg2[%dma_start3A_7, %dma_start3A_8] : memref<5120x1024xf32, #tpu.memory_space<hbm>> -> memref<5120x1024xf32, #tpu.memory_space<hbm>>
    tpu.enqueue_indirect_dma source(%dma_start3A_9 : memref<5120x1024xf32, #tpu.memory_space<hbm>>) target(%arg8 : memref<64x1024xf32, #tpu.memory_space<vmem>>) offsets(%arg7 : memref<64xi32, #tpu.memory_space<vmem>>) semaphore(%arg9 : memref<!tpu.dma_semaphore, #tpu.memory_space<semaphore_mem>>)
    %dma_wait3A_10 = arith.constant 0 : i32
    %dma_wait3A_11 = arith.constant 0 : i32
    %dma_wait3A_12 = tpu.memref_slice %arg2[%dma_wait3A_10, %dma_wait3A_11] : memref<5120x1024xf32, #tpu.memory_space<hbm>> -> memref<5120x1024xf32, #tpu.memory_space<hbm>>
    tpu.wait_indirect_dma semaphore(%arg9 : memref<!tpu.dma_semaphore, #tpu.memory_space<semaphore_mem>>) src(%dma_wait3A_12 : memref<5120x1024xf32, #tpu.memory_space<hbm>>) dst(%arg8 : memref<64x1024xf32, #tpu.memory_space<vmem>>)
    "tpu.region"() ({
      %run_scoped3A = tpu.sem_alloc : memref<!tpu.dma_semaphore, #tpu.memory_space<semaphore_mem>>
      %dma_start3A_13 = arith.constant 0 : i32
      %dma_start3A_14 = tpu.memref_slice %arg6[%mul3A_2, %dma_start3A_13] : memref<2048x1024xf32, #tpu.memory_space<hbm>> -> memref<64x1024xf32, #tpu.memory_space<hbm>>
      %dma_start3A_15 = arith.constant 0 : i32
      %dma_start3A_16 = tpu.memref_slice %arg6[%mul3A_2, %dma_start3A_15] : memref<2048x1024xf32, #tpu.memory_space<hbm>> -> memref<64x1024xf32, #tpu.memory_space<hbm>>
      tpu.enqueue_dma source(%arg8 : memref<64x1024xf32, #tpu.memory_space<vmem>>) target(%dma_start3A_16 : memref<64x1024xf32, #tpu.memory_space<hbm>>) target_semaphore(%run_scoped3A : memref<!tpu.dma_semaphore, #tpu.memory_space<semaphore_mem>>)
      %dma_wait3A_17 = arith.constant 0 : i32
      %dma_wait3A_18 = tpu.memref_slice %arg6[%mul3A_2, %dma_wait3A_17] : memref<2048x1024xf32, #tpu.memory_space<hbm>> -> memref<64x1024xf32, #tpu.memory_space<hbm>>
      %dma_wait3A_19 = arith.constant 0 : i32
      %dma_wait3A_20 = tpu.memref_slice %arg6[%mul3A_2, %dma_wait3A_19] : memref<2048x1024xf32, #tpu.memory_space<hbm>> -> memref<64x1024xf32, #tpu.memory_space<hbm>>
      tpu.wait_dma2 semaphore(%run_scoped3A : memref<!tpu.dma_semaphore, #tpu.memory_space<semaphore_mem>>) src(%arg8 : memref<64x1024xf32, #tpu.memory_space<vmem>>) dst(%dma_wait3A_20 : memref<64x1024xf32, #tpu.memory_space<hbm>>)
      tpu.yield
    }) : () -> ()
    return
  }
}

module attributes {stable_mosaic.version = 14 : i64} {
  func.func @_gating_body(%arg0: memref<2048x1024xf32, #tpu.memory_space<vmem>>, %arg1: memref<1024x256xf32, #tpu.memory_space<vmem>>, %arg2: memref<256xf32, #tpu.memory_space<vmem>>, %arg3: memref<256x16xf32, #tpu.memory_space<vmem>>, %arg4: memref<16xf32, #tpu.memory_space<vmem>>, %arg5: memref<2048x2xf32, #tpu.memory_space<vmem>>, %arg6: memref<2048x2xi32, #tpu.memory_space<vmem>>, %arg7: memref<40x1xi32, #tpu.memory_space<vmem>>, %arg8: memref<1x1xi32, #tpu.memory_space<vmem>>) attributes {dimension_semantics = [], scalar_prefetch = 0 : i64, scratch_operands = 0 : i64, tpu.core_type = #tpu.core_type<tc>} {
    %get3A = arith.constant 0 : index
    %get3A_0 = arith.constant 0 : index
    %get3A_1 = vector.load %arg0[%get3A, %get3A_0] : memref<2048x1024xf32, #tpu.memory_space<vmem>>, vector<2048x1024xf32>
    %get3A_2 = arith.constant 0 : index
    %get3A_3 = arith.constant 0 : index
    %get3A_4 = vector.load %arg1[%get3A_2, %get3A_3] : memref<1024x256xf32, #tpu.memory_space<vmem>>, vector<1024x256xf32>
    %dot_general3A = arith.constant dense<0.000000e+00> : vector<2048x256xf32>
    %dot_general3A_5 = tpu.matmul %get3A_1, %get3A_4, %dot_general3A {dimension_numbers = #tpu.dot_dimension_numbers<[1], [0], [0], [1], [0, 0, 1, 1], [], []>, transpose_lhs_hint = false} : vector<2048x1024xf32>, vector<1024x256xf32>, vector<2048x256xf32> -> vector<2048x256xf32>
    %get3A_6 = arith.constant 0 : index
    %get3A_7 = vector.load %arg2[%get3A_6] : memref<256xf32, #tpu.memory_space<vmem>>, vector<256xf32>
    %broadcast_in_dim3A = vector.shape_cast %get3A_7 : vector<256xf32> to vector<1x256xf32>
    %add3A = vector.broadcast %broadcast_in_dim3A : vector<1x256xf32> to vector<2048x256xf32>
    %add3A_8 = arith.addf %dot_general3A_5, %add3A : vector<2048x256xf32>
    %integer_pow3A = arith.mulf %add3A_8, %add3A_8 : vector<2048x256xf32>
    %integer_pow3A_9 = arith.mulf %add3A_8, %integer_pow3A : vector<2048x256xf32>
    %mul3A = arith.constant 4.471500e-02 : f32
    %mul3A_10 = vector.broadcast %mul3A : f32 to vector<2048x256xf32>
    %mul3A_11 = arith.mulf %mul3A_10, %integer_pow3A_9 : vector<2048x256xf32>
    %add3A_12 = arith.addf %add3A_8, %mul3A_11 : vector<2048x256xf32>
    %mul3A_13 = arith.constant 0.797884583 : f32
    %mul3A_14 = vector.broadcast %mul3A_13 : f32 to vector<2048x256xf32>
    %mul3A_15 = arith.mulf %mul3A_14, %add3A_12 : vector<2048x256xf32>
    %tanh3A = math.tanh %mul3A_15 : vector<2048x256xf32>
    %add3A_16 = arith.constant 1.000000e+00 : f32
    %add3A_17 = vector.broadcast %add3A_16 : f32 to vector<2048x256xf32>
    %add3A_18 = arith.addf %add3A_17, %tanh3A : vector<2048x256xf32>
    %mul3A_19 = arith.constant 5.000000e-01 : f32
    %mul3A_20 = vector.broadcast %mul3A_19 : f32 to vector<2048x256xf32>
    %mul3A_21 = arith.mulf %mul3A_20, %add3A_18 : vector<2048x256xf32>
    %mul3A_22 = arith.mulf %add3A_8, %mul3A_21 : vector<2048x256xf32>
    %get3A_23 = arith.constant 0 : index
    %get3A_24 = arith.constant 0 : index
    %get3A_25 = vector.load %arg3[%get3A_23, %get3A_24] : memref<256x16xf32, #tpu.memory_space<vmem>>, vector<256x16xf32>
    %dot_general3A_26 = arith.constant dense<0.000000e+00> : vector<2048x16xf32>
    %dot_general3A_27 = tpu.matmul %mul3A_22, %get3A_25, %dot_general3A_26 {dimension_numbers = #tpu.dot_dimension_numbers<[1], [0], [0], [1], [0, 0, 1, 1], [], []>, transpose_lhs_hint = false} : vector<2048x256xf32>, vector<256x16xf32>, vector<2048x16xf32> -> vector<2048x16xf32>
    %get3A_28 = arith.constant 0 : index
    %get3A_29 = vector.load %arg4[%get3A_28] : memref<16xf32, #tpu.memory_space<vmem>>, vector<16xf32>
    %broadcast_in_dim3A_30 = vector.shape_cast %get3A_29 : vector<16xf32> to vector<1x16xf32>
    %add3A_31 = vector.broadcast %broadcast_in_dim3A_30 : vector<1x16xf32> to vector<2048x16xf32>
    %add3A_32 = arith.addf %dot_general3A_27, %add3A_31 : vector<2048x16xf32>
    %slice3A = vector.extract_strided_slice %add3A_32 {offsets = [0, 0], sizes = [2048, 8], strides = [1, 1]} : vector<2048x16xf32> to vector<2048x8xf32>
    %reduce_max3A = arith.constant dense<0xFF800000> : vector<2048xf32>
    %reduce_max3A_33 = vector.multi_reduction <maximumf>, %slice3A, %reduce_max3A [1] : vector<2048x8xf32> to vector<2048xf32>
    %broadcast_in_dim3A_34 = vector.shape_cast %reduce_max3A_33 : vector<2048xf32> to vector<2048x1xf32>
    %sub3A = vector.broadcast %broadcast_in_dim3A_34 : vector<2048x1xf32> to vector<2048x8xf32>
    %sub3A_35 = arith.subf %slice3A, %sub3A : vector<2048x8xf32>
    %exp3A = math.exp %sub3A_35 : vector<2048x8xf32>
    %reduce_sum3A = arith.constant dense<0.000000e+00> : vector<2048xf32>
    %reduce_sum3A_36 = vector.multi_reduction <add>, %exp3A, %reduce_sum3A [1] : vector<2048x8xf32> to vector<2048xf32>
    %broadcast_in_dim3A_37 = vector.shape_cast %reduce_sum3A_36 : vector<2048xf32> to vector<2048x1xf32>
    %div3A = vector.broadcast %broadcast_in_dim3A_37 : vector<2048x1xf32> to vector<2048x8xf32>
    %div3A_38 = arith.divf %exp3A, %div3A : vector<2048x8xf32>
    %iota3A = tpu.iota {dimensions = array<i32: 1>} : vector<2048x8xi32>
    %reduce_max3A_39 = arith.constant dense<0xFF800000> : vector<2048xf32>
    %reduce_max3A_40 = vector.multi_reduction <maximumf>, %div3A_38, %reduce_max3A_39 [1] : vector<2048x8xf32> to vector<2048xf32>
    %broadcast_in_dim3A_41 = vector.shape_cast %reduce_max3A_40 : vector<2048xf32> to vector<2048x1xf32>
    %eq3A = vector.broadcast %broadcast_in_dim3A_41 : vector<2048x1xf32> to vector<2048x8xf32>
    %eq3A_42 = arith.cmpf oeq, %div3A_38, %eq3A : vector<2048x8xf32>
    %jit3A = arith.constant 1073741824 : i32
    %broadcast_in_dim3A_43 = vector.broadcast %jit3A : i32 to vector<2048x8xi32>
    %select_n3A = arith.select %eq3A_42, %iota3A, %broadcast_in_dim3A_43 : vector<2048x8xi1>, vector<2048x8xi32>
    %reduce_min3A = arith.constant dense<2147483647> : vector<2048xi32>
    %reduce_min3A_44 = vector.multi_reduction <minsi>, %select_n3A, %reduce_min3A [1] : vector<2048x8xi32> to vector<2048xi32>
    %broadcast_in_dim3A_45 = vector.shape_cast %reduce_min3A_44 : vector<2048xi32> to vector<2048x1xi32>
    %eq3A_46 = vector.broadcast %broadcast_in_dim3A_45 : vector<2048x1xi32> to vector<2048x8xi32>
    %eq3A_47 = arith.cmpi eq, %iota3A, %eq3A_46 : vector<2048x8xi32>
    %jit3A_48 = arith.constant 0xFF800000 : f32
    %broadcast_in_dim3A_49 = vector.broadcast %jit3A_48 : f32 to vector<2048x8xf32>
    %select_n3A_50 = arith.select %eq3A_47, %broadcast_in_dim3A_49, %div3A_38 : vector<2048x8xi1>, vector<2048x8xf32>
    %reduce_max3A_51 = arith.constant dense<0xFF800000> : vector<2048xf32>
    %reduce_max3A_52 = vector.multi_reduction <maximumf>, %select_n3A_50, %reduce_max3A_51 [1] : vector<2048x8xf32> to vector<2048xf32>
    %broadcast_in_dim3A_53 = vector.shape_cast %reduce_max3A_52 : vector<2048xf32> to vector<2048x1xf32>
    %eq3A_54 = vector.broadcast %broadcast_in_dim3A_53 : vector<2048x1xf32> to vector<2048x8xf32>
    %eq3A_55 = arith.cmpf oeq, %select_n3A_50, %eq3A_54 : vector<2048x8xf32>
    %jit3A_56 = arith.constant 1073741824 : i32
    %broadcast_in_dim3A_57 = vector.broadcast %jit3A_56 : i32 to vector<2048x8xi32>
    %select_n3A_58 = arith.select %eq3A_55, %iota3A, %broadcast_in_dim3A_57 : vector<2048x8xi1>, vector<2048x8xi32>
    %reduce_min3A_59 = arith.constant dense<2147483647> : vector<2048xi32>
    %reduce_min3A_60 = vector.multi_reduction <minsi>, %select_n3A_58, %reduce_min3A_59 [1] : vector<2048x8xi32> to vector<2048xi32>
    %broadcast_in_dim3A_61 = vector.shape_cast %reduce_min3A_60 : vector<2048xi32> to vector<2048x1xi32>
    %concatenate3A = tpu.concatenate %broadcast_in_dim3A_41, %broadcast_in_dim3A_53 in 1 : vector<2048x1xf32>, vector<2048x1xf32> -> vector<2048x2xf32>
    %swap3A = arith.constant 0 : index
    %swap3A_62 = arith.constant 0 : index
    %swap3A_63 = vector.load %arg5[%swap3A, %swap3A_62] : memref<2048x2xf32, #tpu.memory_space<vmem>>, vector<2048x2xf32>
    tpu.vector_store %arg5[%swap3A, %swap3A_62], %concatenate3A {strides = array<i32>} : memref<2048x2xf32, #tpu.memory_space<vmem>>, vector<2048x2xf32>,
    %eq3A_64 = vector.broadcast %broadcast_in_dim3A_45 : vector<2048x1xi32> to vector<2048x8xi32>
    %eq3A_65 = arith.cmpi eq, %iota3A, %eq3A_64 : vector<2048x8xi32>
    %convert_element_type3A = arith.extui %eq3A_65 : vector<2048x8xi1> to vector<2048x8xi32>
    %convert_element_type3A_66 = arith.sitofp %convert_element_type3A : vector<2048x8xi32> to vector<2048x8xf32>
    %eq3A_67 = vector.broadcast %broadcast_in_dim3A_61 : vector<2048x1xi32> to vector<2048x8xi32>
    %eq3A_68 = arith.cmpi eq, %iota3A, %eq3A_67 : vector<2048x8xi32>
    %convert_element_type3A_69 = arith.extui %eq3A_68 : vector<2048x8xi1> to vector<2048x8xi32>
    %convert_element_type3A_70 = arith.sitofp %convert_element_type3A_69 : vector<2048x8xi32> to vector<2048x8xf32>
    %add3A_71 = arith.addf %convert_element_type3A_66, %convert_element_type3A_70 : vector<2048x8xf32>
    %broadcast_in_dim3A_72 = arith.constant 0.000000e+00 : f32
    %broadcast_in_dim3A_73 = vector.broadcast %broadcast_in_dim3A_72 : f32 to vector<1x8xf32>
    %slice3A_74 = vector.extract_strided_slice %add3A_71 {offsets = [0, 0], sizes = [2047, 8], strides = [1, 1]} : vector<2048x8xf32> to vector<2047x8xf32>
    %concatenate3A_75 = tpu.concatenate %broadcast_in_dim3A_73, %slice3A_74 in 0 : vector<1x8xf32>, vector<2047x8xf32> -> vector<2048x8xf32>
    %add3A_76 = arith.addf %add3A_71, %concatenate3A_75 : vector<2048x8xf32>
    %broadcast_in_dim3A_77 = arith.constant 0.000000e+00 : f32
    %broadcast_in_dim3A_78 = vector.broadcast %broadcast_in_dim3A_77 : f32 to vector<2x8xf32>
    %slice3A_79 = vector.extract_strided_slice %add3A_76 {offsets = [0, 0], sizes = [2046, 8], strides = [1, 1]} : vector<2048x8xf32> to vector<2046x8xf32>
    %concatenate3A_80 = tpu.concatenate %broadcast_in_dim3A_78, %slice3A_79 in 0 : vector<2x8xf32>, vector<2046x8xf32> -> vector<2048x8xf32>
    %add3A_81 = arith.addf %add3A_76, %concatenate3A_80 : vector<2048x8xf32>
    %broadcast_in_dim3A_82 = arith.constant 0.000000e+00 : f32
    %broadcast_in_dim3A_83 = vector.broadcast %broadcast_in_dim3A_82 : f32 to vector<4x8xf32>
    %slice3A_84 = vector.extract_strided_slice %add3A_81 {offsets = [0, 0], sizes = [2044, 8], strides = [1, 1]} : vector<2048x8xf32> to vector<2044x8xf32>
    %concatenate3A_85 = tpu.concatenate %broadcast_in_dim3A_83, %slice3A_84 in 0 : vector<4x8xf32>, vector<2044x8xf32> -> vector<2048x8xf32>
    %add3A_86 = arith.addf %add3A_81, %concatenate3A_85 : vector<2048x8xf32>
    %broadcast_in_dim3A_87 = arith.constant 0.000000e+00 : f32
    %broadcast_in_dim3A_88 = vector.broadcast %broadcast_in_dim3A_87 : f32 to vector<8x8xf32>
    %slice3A_89 = vector.extract_strided_slice %add3A_86 {offsets = [0, 0], sizes = [2040, 8], strides = [1, 1]} : vector<2048x8xf32> to vector<2040x8xf32>
    %concatenate3A_90 = tpu.concatenate %broadcast_in_dim3A_88, %slice3A_89 in 0 : vector<8x8xf32>, vector<2040x8xf32> -> vector<2048x8xf32>
    %add3A_91 = arith.addf %add3A_86, %concatenate3A_90 : vector<2048x8xf32>
    %broadcast_in_dim3A_92 = arith.constant 0.000000e+00 : f32
    %broadcast_in_dim3A_93 = vector.broadcast %broadcast_in_dim3A_92 : f32 to vector<16x8xf32>
    %slice3A_94 = vector.extract_strided_slice %add3A_91 {offsets = [0, 0], sizes = [2032, 8], strides = [1, 1]} : vector<2048x8xf32> to vector<2032x8xf32>
    %concatenate3A_95 = tpu.concatenate %broadcast_in_dim3A_93, %slice3A_94 in 0 : vector<16x8xf32>, vector<2032x8xf32> -> vector<2048x8xf32>
    %add3A_96 = arith.addf %add3A_91, %concatenate3A_95 : vector<2048x8xf32>
    %broadcast_in_dim3A_97 = arith.constant 0.000000e+00 : f32
    %broadcast_in_dim3A_98 = vector.broadcast %broadcast_in_dim3A_97 : f32 to vector<32x8xf32>
    %slice3A_99 = vector.extract_strided_slice %add3A_96 {offsets = [0, 0], sizes = [2016, 8], strides = [1, 1]} : vector<2048x8xf32> to vector<2016x8xf32>
    %concatenate3A_100 = tpu.concatenate %broadcast_in_dim3A_98, %slice3A_99 in 0 : vector<32x8xf32>, vector<2016x8xf32> -> vector<2048x8xf32>
    %add3A_101 = arith.addf %add3A_96, %concatenate3A_100 : vector<2048x8xf32>
    %broadcast_in_dim3A_102 = arith.constant 0.000000e+00 : f32
    %broadcast_in_dim3A_103 = vector.broadcast %broadcast_in_dim3A_102 : f32 to vector<64x8xf32>
    %slice3A_104 = vector.extract_strided_slice %add3A_101 {offsets = [0, 0], sizes = [1984, 8], strides = [1, 1]} : vector<2048x8xf32> to vector<1984x8xf32>
    %concatenate3A_105 = tpu.concatenate %broadcast_in_dim3A_103, %slice3A_104 in 0 : vector<64x8xf32>, vector<1984x8xf32> -> vector<2048x8xf32>
    %add3A_106 = arith.addf %add3A_101, %concatenate3A_105 : vector<2048x8xf32>
    %broadcast_in_dim3A_107 = arith.constant 0.000000e+00 : f32
    %broadcast_in_dim3A_108 = vector.broadcast %broadcast_in_dim3A_107 : f32 to vector<128x8xf32>
    %slice3A_109 = vector.extract_strided_slice %add3A_106 {offsets = [0, 0], sizes = [1920, 8], strides = [1, 1]} : vector<2048x8xf32> to vector<1920x8xf32>
    %concatenate3A_110 = tpu.concatenate %broadcast_in_dim3A_108, %slice3A_109 in 0 : vector<128x8xf32>, vector<1920x8xf32> -> vector<2048x8xf32>
    %add3A_111 = arith.addf %add3A_106, %concatenate3A_110 : vector<2048x8xf32>
    %broadcast_in_dim3A_112 = arith.constant 0.000000e+00 : f32
    %broadcast_in_dim3A_113 = vector.broadcast %broadcast_in_dim3A_112 : f32 to vector<256x8xf32>
    %slice3A_114 = vector.extract_strided_slice %add3A_111 {offsets = [0, 0], sizes = [1792, 8], strides = [1, 1]} : vector<2048x8xf32> to vector<1792x8xf32>
    %concatenate3A_115 = tpu.concatenate %broadcast_in_dim3A_113, %slice3A_114 in 0 : vector<256x8xf32>, vector<1792x8xf32> -> vector<2048x8xf32>
    %add3A_116 = arith.addf %add3A_111, %concatenate3A_115 : vector<2048x8xf32>
    %broadcast_in_dim3A_117 = arith.constant 0.000000e+00 : f32
    %broadcast_in_dim3A_118 = vector.broadcast %broadcast_in_dim3A_117 : f32 to vector<512x8xf32>
    %slice3A_119 = vector.extract_strided_slice %add3A_116 {offsets = [0, 0], sizes = [1536, 8], strides = [1, 1]} : vector<2048x8xf32> to vector<1536x8xf32>
    %concatenate3A_120 = tpu.concatenate %broadcast_in_dim3A_118, %slice3A_119 in 0 : vector<512x8xf32>, vector<1536x8xf32> -> vector<2048x8xf32>
    %add3A_121 = arith.addf %add3A_116, %concatenate3A_120 : vector<2048x8xf32>
    %broadcast_in_dim3A_122 = arith.constant 0.000000e+00 : f32
    %broadcast_in_dim3A_123 = vector.broadcast %broadcast_in_dim3A_122 : f32 to vector<1024x8xf32>
    %slice3A_124 = vector.extract_strided_slice %add3A_121 {offsets = [0, 0], sizes = [1024, 8], strides = [1, 1]} : vector<2048x8xf32> to vector<1024x8xf32>
    %concatenate3A_125 = tpu.concatenate %broadcast_in_dim3A_123, %slice3A_124 in 0 : vector<1024x8xf32>, vector<1024x8xf32> -> vector<2048x8xf32>
    %add3A_126 = arith.addf %add3A_121, %concatenate3A_125 : vector<2048x8xf32>
    %sub3A_127 = arith.subf %add3A_126, %add3A_71 : vector<2048x8xf32>
    %reduce_sum3A_128 = arith.constant dense<0.000000e+00> : vector<8xf32>
    %reduce_sum3A_129 = vector.multi_reduction <add>, %add3A_71, %reduce_sum3A_128 [0] : vector<2048x8xf32> to vector<8xf32>
    %broadcast_in_dim3A_130 = vector.shape_cast %reduce_sum3A_129 : vector<8xf32> to vector<1x8xf32>
    %convert_element_type3A_131 = arith.fptosi %broadcast_in_dim3A_130 : vector<1x8xf32> to vector<1x8xi32>
    %add3A_132 = arith.constant 127 : i32
    %add3A_133 = vector.broadcast %add3A_132 : i32 to vector<1x8xi32>
    %add3A_134 = arith.addi %convert_element_type3A_131, %add3A_133 : vector<1x8xi32>
    %jit3A_135 = arith.constant 128 : i32
    %div3A_136 = vector.broadcast %jit3A_135 : i32 to vector<1x8xi32>
    %div3A_137 = arith.divsi %add3A_134, %div3A_136 : vector<1x8xi32>
    %sign3A = arith.constant 0 : i32
    %sign3A_138 = vector.broadcast %sign3A : i32 to vector<1x8xi32>
    %sign3A_139 = arith.cmpi sgt, %add3A_134, %sign3A_138 : vector<1x8xi32>
    %sign3A_140 = arith.extui %sign3A_139 : vector<1x8xi1> to vector<1x8xi32>
    %sign3A_141 = arith.constant 0 : i32
    %sign3A_142 = vector.broadcast %sign3A_141 : i32 to vector<1x8xi32>
    %sign3A_143 = arith.cmpi slt, %add3A_134, %sign3A_142 : vector<1x8xi32>
    %sign3A_144 = arith.extui %sign3A_143 : vector<1x8xi1> to vector<1x8xi32>
    %sign3A_145 = arith.subi %sign3A_140, %sign3A_144 : vector<1x8xi32>
    %sign3A_146 = arith.constant 0 : i32
    %sign3A_147 = arith.cmpi sgt, %jit3A_135, %sign3A_146 : i32
    %sign3A_148 = arith.extui %sign3A_147 : i1 to i32
    %sign3A_149 = arith.constant 0 : i32
    %sign3A_150 = arith.cmpi slt, %jit3A_135, %sign3A_149 : i32
    %sign3A_151 = arith.extui %sign3A_150 : i1 to i32
    %sign3A_152 = arith.subi %sign3A_148, %sign3A_151 : i32
    %ne3A = vector.broadcast %sign3A_152 : i32 to vector<1x8xi32>
    %ne3A_153 = arith.cmpi ne, %sign3A_145, %ne3A : vector<1x8xi32>
    %rem3A = vector.broadcast %jit3A_135 : i32 to vector<1x8xi32>
    %rem3A_154 = arith.remsi %add3A_134, %rem3A : vector<1x8xi32>
    %ne3A_155 = arith.constant 0 : i32
    %ne3A_156 = vector.broadcast %ne3A_155 : i32 to vector<1x8xi32>
    %ne3A_157 = arith.cmpi ne, %rem3A_154, %ne3A_156 : vector<1x8xi32>
    %and3A = arith.andi %ne3A_153, %ne3A_157 : vector<1x8xi1>
    %sub3A_158 = arith.constant 1 : i32
    %sub3A_159 = vector.broadcast %sub3A_158 : i32 to vector<1x8xi32>
    %sub3A_160 = arith.subi %div3A_137, %sub3A_159 : vector<1x8xi32>
    %select_n3A_161 = arith.select %and3A, %sub3A_160, %div3A_137 : vector<1x8xi1>, vector<1x8xi32>
    %iota3A_162 = tpu.iota {dimensions = array<i32: 0>} : vector<8x8xi32>
    %iota3A_163 = tpu.iota {dimensions = array<i32: 1>} : vector<8x8xi32>
    %le3A = arith.cmpi sle, %iota3A_162, %iota3A_163 : vector<8x8xi32>
    %convert_element_type3A_164 = arith.extui %le3A : vector<8x8xi1> to vector<8x8xi32>
    %convert_element_type3A_165 = arith.sitofp %convert_element_type3A_164 : vector<8x8xi32> to vector<8x8xf32>
    %convert_element_type3A_166 = arith.sitofp %select_n3A_161 : vector<1x8xi32> to vector<1x8xf32>
    %dot_general3A_167 = arith.constant dense<0.000000e+00> : vector<1x8xf32>
    %dot_general3A_168 = tpu.matmul %convert_element_type3A_166, %convert_element_type3A_165, %dot_general3A_167 {dimension_numbers = #tpu.dot_dimension_numbers<[1], [0], [0], [1], [0, 0, 1, 1], [], []>, transpose_lhs_hint = false} : vector<1x8xf32>, vector<8x8xf32>, vector<1x8xf32> -> vector<1x8xf32>
    %convert_element_type3A_169 = arith.fptosi %dot_general3A_168 : vector<1x8xf32> to vector<1x8xi32>
    %reduce_max3A_170 = arith.constant dense<-2147483648> : vector<1xi32>
    %reduce_max3A_171 = vector.multi_reduction <maxsi>, %convert_element_type3A_169, %reduce_max3A_170 [1] : vector<1x8xi32> to vector<1xi32>
    %broadcast_in_dim3A_172 = vector.shape_cast %reduce_max3A_171 : vector<1xi32> to vector<1x1xi32>
    %sub3A_173 = arith.subi %convert_element_type3A_169, %select_n3A_161 : vector<1x8xi32>
    %mul3A_174 = arith.constant 128 : i32
    %mul3A_175 = vector.broadcast %mul3A_174 : i32 to vector<1x8xi32>
    %mul3A_176 = arith.muli %sub3A_173, %mul3A_175 : vector<1x8xi32>
    %convert_element_type3A_177 = arith.sitofp %mul3A_176 : vector<1x8xi32> to vector<1x8xf32>
    %add3A_178 = vector.broadcast %convert_element_type3A_177 : vector<1x8xf32> to vector<2048x8xf32>
    %add3A_179 = arith.addf %sub3A_127, %add3A_178 : vector<2048x8xf32>
    %mul3A_180 = arith.mulf %add3A_179, %convert_element_type3A_66 : vector<2048x8xf32>
    %reduce_sum3A_181 = arith.constant dense<0.000000e+00> : vector<2048xf32>
    %reduce_sum3A_182 = vector.multi_reduction <add>, %mul3A_180, %reduce_sum3A_181 [1] : vector<2048x8xf32> to vector<2048xf32>
    %broadcast_in_dim3A_183 = vector.shape_cast %reduce_sum3A_182 : vector<2048xf32> to vector<2048x1xf32>
    %mul3A_184 = arith.mulf %add3A_179, %convert_element_type3A_70 : vector<2048x8xf32>
    %reduce_sum3A_185 = arith.constant dense<0.000000e+00> : vector<2048xf32>
    %reduce_sum3A_186 = vector.multi_reduction <add>, %mul3A_184, %reduce_sum3A_185 [1] : vector<2048x8xf32> to vector<2048xf32>
    %broadcast_in_dim3A_187 = vector.shape_cast %reduce_sum3A_186 : vector<2048xf32> to vector<2048x1xf32>
    %concatenate3A_188 = tpu.concatenate %broadcast_in_dim3A_183, %broadcast_in_dim3A_187 in 1 : vector<2048x1xf32>, vector<2048x1xf32> -> vector<2048x2xf32>
    %convert_element_type3A_189 = arith.fptosi %concatenate3A_188 : vector<2048x2xf32> to vector<2048x2xi32>
    %swap3A_190 = arith.constant 0 : index
    %swap3A_191 = arith.constant 0 : index
    %swap3A_192 = vector.load %arg6[%swap3A_190, %swap3A_191] : memref<2048x2xi32, #tpu.memory_space<vmem>>, vector<2048x2xi32>
    tpu.vector_store %arg6[%swap3A_190, %swap3A_191], %convert_element_type3A_189 {strides = array<i32>} : memref<2048x2xi32, #tpu.memory_space<vmem>>, vector<2048x2xi32>,
    %iota3A_193 = tpu.iota {dimensions = array<i32: 0>} : vector<40x8xi32>
    %squeeze3A = vector.shape_cast %convert_element_type3A_169 : vector<1x8xi32> to vector<8xi32>
    %broadcast_in_dim3A_194 = vector.shape_cast %squeeze3A : vector<8xi32> to vector<1x8xi32>
    %ge3A = vector.broadcast %broadcast_in_dim3A_194 : vector<1x8xi32> to vector<40x8xi32>
    %ge3A_195 = arith.cmpi sge, %iota3A_193, %ge3A : vector<40x8xi32>
    %convert_element_type3A_196 = arith.extui %ge3A_195 : vector<40x8xi1> to vector<40x8xi32>
    %reduce_sum3A_197 = arith.constant dense<0> : vector<40xi32>
    %reduce_sum3A_198 = vector.multi_reduction <add>, %convert_element_type3A_196, %reduce_sum3A_197 [1] : vector<40x8xi32> to vector<40xi32>
    %broadcast_in_dim3A_199 = vector.shape_cast %reduce_sum3A_198 : vector<40xi32> to vector<40x1xi32>
    %iota3A_200 = tpu.iota {dimensions = array<i32: 1>} : vector<1x8xi32>
    %gt3A = arith.constant 0.000000e+00 : f32
    %gt3A_201 = vector.broadcast %gt3A : f32 to vector<1x8xf32>
    %gt3A_202 = arith.cmpf ogt, %broadcast_in_dim3A_130, %gt3A_201 : vector<1x8xf32>
    %jit3A_203 = arith.constant 0 : i32
    %broadcast_in_dim3A_204 = vector.broadcast %jit3A_203 : i32 to vector<1x8xi32>
    %select_n3A_205 = arith.select %gt3A_202, %iota3A_200, %broadcast_in_dim3A_204 : vector<1x8xi1>, vector<1x8xi32>
    %reduce_max3A_206 = vector.shape_cast %select_n3A_205 : vector<1x8xi32> to vector<1x1x8xi32>
    %reduce_max3A_207 = arith.constant dense<-2147483648> : vector<1xi32>
    %reduce_max3A_208 = vector.multi_reduction <maxsi>, %reduce_max3A_206, %reduce_max3A_207 [1, 2] : vector<1x1x8xi32> to vector<1xi32>
    %reduce_max3A_209 = vector.shape_cast %reduce_max3A_208 : vector<1xi32> to vector<1x1x1xi32>
    %reduce_max3A_210 = vector.extract %reduce_max3A_209[0, 0, 0] : i32 from vector<1x1x1xi32>
    %min3A = vector.broadcast %reduce_max3A_210 : i32 to vector<40x1xi32>
    %min3A_211 = arith.minsi %broadcast_in_dim3A_199, %min3A : vector<40x1xi32>
    %swap3A_212 = arith.constant 0 : index
    %swap3A_213 = arith.constant 0 : index
    %swap3A_214 = vector.load %arg7[%swap3A_212, %swap3A_213] : memref<40x1xi32, #tpu.memory_space<vmem>>, vector<40x1xi32>
    tpu.vector_store %arg7[%swap3A_212, %swap3A_213], %min3A_211 {strides = array<i32>} : memref<40x1xi32, #tpu.memory_space<vmem>>, vector<40x1xi32>,
    %swap3A_215 = arith.constant 0 : index
    %swap3A_216 = arith.constant 0 : index
    %swap3A_217 = vector.load %arg8[%swap3A_215, %swap3A_216] : memref<1x1xi32, #tpu.memory_space<vmem>>, vector<1x1xi32>
    tpu.vector_store %arg8[%swap3A_215, %swap3A_216], %broadcast_in_dim3A_172 {strides = array<i32>} : memref<1x1xi32, #tpu.memory_space<vmem>>, vector<1x1xi32>,
    return
  }
}

module attributes {stable_mosaic.version = 14 : i64} {
  func.func @_ffn_body(%arg0: i32, %arg1: i32, %arg2: memref<40xi32, #tpu.memory_space<smem>>, %arg3: memref<1xi32, #tpu.memory_space<smem>>, %arg4: memref<128x1024xf32, #tpu.memory_space<vmem>>, %arg5: memref<1x1024x2048xf32, #tpu.memory_space<vmem>>, %arg6: memref<1x1x2048xf32, #tpu.memory_space<vmem>>, %arg7: memref<1x2048x1024xf32, #tpu.memory_space<vmem>>, %arg8: memref<1x1x1024xf32, #tpu.memory_space<vmem>>, %arg9: memref<128x1024xf32, #tpu.memory_space<vmem>>, %arg10: memref<5120x1024xf32, #tpu.memory_space<vmem>>) attributes {dimension_semantics = [#tpu.dimension_semantics<arbitrary>, #tpu.dimension_semantics<arbitrary>], iteration_bounds = array<i64: 2, 40>, scalar_prefetch = 2 : i64, scratch_operands = 1 : i64, tpu.core_type = #tpu.core_type<tc>, window_params = [{transform_indices = @transform_0, window_bounds = array<i64: 128, 1024>}, {transform_indices = @transform_1, window_bounds = array<i64: 1, 1024, 2048>}, {transform_indices = @transform_2, window_bounds = array<i64: 1, 1, 2048>}, {transform_indices = @transform_3, window_bounds = array<i64: 1, 2048, 1024>}, {transform_indices = @transform_4, window_bounds = array<i64: 1, 1, 1024>}, {transform_indices = @transform_5, window_bounds = array<i64: 128, 1024>}]} {
    %get3A = arith.constant 0 : index
    %get3A_0 = memref.load %arg3[%get3A] : memref<1xi32, #tpu.memory_space<smem>>
    %lt3A = arith.cmpi slt, %arg1, %get3A_0 : i32
    %convert_element_type3A = arith.extui %lt3A : i1 to i32
    %cond3A = arith.constant 0 : i32
    %cond3A_1 = arith.cmpi ne, %convert_element_type3A, %cond3A : i32
    scf.if %cond3A_1 {
      %get3A_2 = arith.constant 0 : index
      %get3A_3 = arith.constant 0 : index
      %get3A_4 = vector.load %arg4[%get3A_2, %get3A_3] : memref<128x1024xf32, #tpu.memory_space<vmem>>, vector<128x1024xf32>
      %get3A_5 = arith.constant 0 : index
      %get3A_6 = arith.constant 0 : index
      %get3A_7 = arith.constant 0 : index
      %get3A_8 = vector.load %arg5[%get3A_5, %get3A_6, %get3A_7] : memref<1x1024x2048xf32, #tpu.memory_space<vmem>>, vector<1x1024x2048xf32>
      %get3A_9 = vector.shape_cast %get3A_8 : vector<1x1024x2048xf32> to vector<1024x2048xf32>
      %dot_general3A = arith.constant dense<0.000000e+00> : vector<128x2048xf32>
      %dot_general3A_10 = tpu.matmul %get3A_4, %get3A_9, %dot_general3A {dimension_numbers = #tpu.dot_dimension_numbers<[1], [0], [0], [1], [0, 0, 1, 1], [], []>, transpose_lhs_hint = false} : vector<128x1024xf32>, vector<1024x2048xf32>, vector<128x2048xf32> -> vector<128x2048xf32>
      %get3A_11 = arith.constant 0 : index
      %get3A_12 = arith.constant 0 : index
      %get3A_13 = arith.constant 0 : index
      %get3A_14 = vector.load %arg6[%get3A_11, %get3A_12, %get3A_13] : memref<1x1x2048xf32, #tpu.memory_space<vmem>>, vector<1x1x2048xf32>
      %get3A_15 = vector.shape_cast %get3A_14 : vector<1x1x2048xf32> to vector<1x2048xf32>
      %add3A = vector.broadcast %get3A_15 : vector<1x2048xf32> to vector<128x2048xf32>
      %add3A_16 = arith.addf %dot_general3A_10, %add3A : vector<128x2048xf32>
      %integer_pow3A = arith.mulf %add3A_16, %add3A_16 : vector<128x2048xf32>
      %integer_pow3A_17 = arith.mulf %add3A_16, %integer_pow3A : vector<128x2048xf32>
      %mul3A = arith.constant 4.471500e-02 : f32
      %mul3A_18 = vector.broadcast %mul3A : f32 to vector<128x2048xf32>
      %mul3A_19 = arith.mulf %mul3A_18, %integer_pow3A_17 : vector<128x2048xf32>
      %add3A_20 = arith.addf %add3A_16, %mul3A_19 : vector<128x2048xf32>
      %mul3A_21 = arith.constant 0.797884583 : f32
      %mul3A_22 = vector.broadcast %mul3A_21 : f32 to vector<128x2048xf32>
      %mul3A_23 = arith.mulf %mul3A_22, %add3A_20 : vector<128x2048xf32>
      %tanh3A = math.tanh %mul3A_23 : vector<128x2048xf32>
      %add3A_24 = arith.constant 1.000000e+00 : f32
      %add3A_25 = vector.broadcast %add3A_24 : f32 to vector<128x2048xf32>
      %add3A_26 = arith.addf %add3A_25, %tanh3A : vector<128x2048xf32>
      %mul3A_27 = arith.constant 5.000000e-01 : f32
      %mul3A_28 = vector.broadcast %mul3A_27 : f32 to vector<128x2048xf32>
      %mul3A_29 = arith.mulf %mul3A_28, %add3A_26 : vector<128x2048xf32>
      %mul3A_30 = arith.mulf %add3A_16, %mul3A_29 : vector<128x2048xf32>
      %get3A_31 = arith.constant 0 : index
      %get3A_32 = arith.constant 0 : index
      %get3A_33 = arith.constant 0 : index
      %get3A_34 = vector.load %arg7[%get3A_31, %get3A_32, %get3A_33] : memref<1x2048x1024xf32, #tpu.memory_space<vmem>>, vector<1x2048x1024xf32>
      %get3A_35 = vector.shape_cast %get3A_34 : vector<1x2048x1024xf32> to vector<2048x1024xf32>
      %dot_general3A_36 = arith.constant dense<0.000000e+00> : vector<128x1024xf32>
      %dot_general3A_37 = tpu.matmul %mul3A_30, %get3A_35, %dot_general3A_36 {dimension_numbers = #tpu.dot_dimension_numbers<[1], [0], [0], [1], [0, 0, 1, 1], [], []>, transpose_lhs_hint = false} : vector<128x2048xf32>, vector<2048x1024xf32>, vector<128x1024xf32> -> vector<128x1024xf32>
      %eq3A = arith.constant 0 : i32
      %eq3A_38 = arith.cmpi eq, %arg0, %eq3A : i32
      %convert_element_type3A_39 = arith.extui %eq3A_38 : i1 to i32
      %cond3A_40 = arith.constant 0 : i32
      %cond3A_41 = arith.cmpi ne, %convert_element_type3A_39, %cond3A_40 : i32
      scf.if %cond3A_41 {
        %mul3A_53 = arith.constant 128 : i32
        %mul3A_54 = arith.muli %arg1, %mul3A_53 : i32
        %swap3A = arith.index_cast %mul3A_54 : i32 to index
        %swap3A_55 = arith.constant 0 : index
        %swap3A_56 = vector.load %arg10[%swap3A, %swap3A_55] : memref<5120x1024xf32, #tpu.memory_space<vmem>>, vector<128x1024xf32>
        tpu.vector_store %arg10[%swap3A, %swap3A_55], %dot_general3A_37 {strides = array<i32>} : memref<5120x1024xf32, #tpu.memory_space<vmem>>, vector<128x1024xf32>,
      } else {
      }
      %gt3A = arith.constant 0 : i32
      %gt3A_42 = arith.cmpi sgt, %arg0, %gt3A : i32
      %lt3A_43 = arith.constant 1 : i32
      %lt3A_44 = arith.cmpi slt, %arg0, %lt3A_43 : i32
      %and3A = arith.andi %gt3A_42, %lt3A_44 : i1
      %convert_element_type3A_45 = arith.extui %and3A : i1 to i32
      %cond3A_46 = arith.constant 0 : i32
      %cond3A_47 = arith.cmpi ne, %convert_element_type3A_45, %cond3A_46 : i32
      scf.if %cond3A_47 {
        %mul3A_53 = arith.constant 128 : i32
        %mul3A_54 = arith.muli %arg1, %mul3A_53 : i32
        %get3A_55 = arith.index_cast %mul3A_54 : i32 to index
        %get3A_56 = arith.constant 0 : index
        %get3A_57 = vector.load %arg10[%get3A_55, %get3A_56] : memref<5120x1024xf32, #tpu.memory_space<vmem>>, vector<128x1024xf32>
        %add3A_58 = arith.addf %get3A_57, %dot_general3A_37 : vector<128x1024xf32>
        %swap3A = arith.index_cast %mul3A_54 : i32 to index
        %swap3A_59 = arith.constant 0 : index
        %swap3A_60 = vector.load %arg10[%swap3A, %swap3A_59] : memref<5120x1024xf32, #tpu.memory_space<vmem>>, vector<128x1024xf32>
        tpu.vector_store %arg10[%swap3A, %swap3A_59], %add3A_58 {strides = array<i32>} : memref<5120x1024xf32, #tpu.memory_space<vmem>>, vector<128x1024xf32>,
      } else {
      }
      %eq3A_48 = arith.constant 1 : i32
      %eq3A_49 = arith.cmpi eq, %arg0, %eq3A_48 : i32
      %convert_element_type3A_50 = arith.extui %eq3A_49 : i1 to i32
      %cond3A_51 = arith.constant 0 : i32
      %cond3A_52 = arith.cmpi ne, %convert_element_type3A_50, %cond3A_51 : i32
      scf.if %cond3A_52 {
        %mul3A_53 = arith.constant 128 : i32
        %mul3A_54 = arith.muli %arg1, %mul3A_53 : i32
        %get3A_55 = arith.index_cast %mul3A_54 : i32 to index
        %get3A_56 = arith.constant 0 : index
        %get3A_57 = vector.load %arg10[%get3A_55, %get3A_56] : memref<5120x1024xf32, #tpu.memory_space<vmem>>, vector<128x1024xf32>
        %add3A_58 = arith.addf %get3A_57, %dot_general3A_37 : vector<128x1024xf32>
        %get3A_59 = arith.constant 0 : index
        %get3A_60 = arith.constant 0 : index
        %get3A_61 = arith.constant 0 : index
        %get3A_62 = vector.load %arg8[%get3A_59, %get3A_60, %get3A_61] : memref<1x1x1024xf32, #tpu.memory_space<vmem>>, vector<1x1x1024xf32>
        %get3A_63 = vector.shape_cast %get3A_62 : vector<1x1x1024xf32> to vector<1x1024xf32>
        %add3A_64 = vector.broadcast %get3A_63 : vector<1x1024xf32> to vector<128x1024xf32>
        %add3A_65 = arith.addf %add3A_58, %add3A_64 : vector<128x1024xf32>
        %swap3A = arith.constant 0 : index
        %swap3A_66 = arith.constant 0 : index
        %swap3A_67 = vector.load %arg9[%swap3A, %swap3A_66] : memref<128x1024xf32, #tpu.memory_space<vmem>>, vector<128x1024xf32>
        tpu.vector_store %arg9[%swap3A, %swap3A_66], %add3A_65 {strides = array<i32>} : memref<128x1024xf32, #tpu.memory_space<vmem>>, vector<128x1024xf32>,
      } else {
      }
    } else {
    }
    return
  }
  func.func @transform_0(%arg0: i32, %arg1: i32, %arg2: memref<40xi32, #tpu.memory_space<smem>>, %arg3: memref<1xi32, #tpu.memory_space<smem>>) -> (i32, i32) {
    %c0_i32 = arith.constant 0 : i32
    %c0_i32_0 = arith.constant 0 : i32
    return %arg1, %c0_i32 : i32, i32
  }
  func.func @transform_1(%arg0: i32, %arg1: i32, %arg2: memref<40xi32, #tpu.memory_space<smem>>, %arg3: memref<1xi32, #tpu.memory_space<smem>>) -> (i32, i32, i32) {
    %get3A = arith.index_cast %arg1 : i32 to index
    %get3A_0 = memref.load %arg2[%get3A] : memref<40xi32, #tpu.memory_space<smem>>
    %c0_i32 = arith.constant 0 : i32
    %c0_i32_1 = arith.constant 0 : i32
    return %get3A_0, %c0_i32, %arg0 : i32, i32, i32
  }
  func.func @transform_2(%arg0: i32, %arg1: i32, %arg2: memref<40xi32, #tpu.memory_space<smem>>, %arg3: memref<1xi32, #tpu.memory_space<smem>>) -> (i32, i32, i32) {
    %get3A = arith.index_cast %arg1 : i32 to index
    %get3A_0 = memref.load %arg2[%get3A] : memref<40xi32, #tpu.memory_space<smem>>
    %c0_i32 = arith.constant 0 : i32
    %c0_i32_1 = arith.constant 0 : i32
    return %get3A_0, %c0_i32, %arg0 : i32, i32, i32
  }
  func.func @transform_3(%arg0: i32, %arg1: i32, %arg2: memref<40xi32, #tpu.memory_space<smem>>, %arg3: memref<1xi32, #tpu.memory_space<smem>>) -> (i32, i32, i32) {
    %get3A = arith.index_cast %arg1 : i32 to index
    %get3A_0 = memref.load %arg2[%get3A] : memref<40xi32, #tpu.memory_space<smem>>
    %c0_i32 = arith.constant 0 : i32
    %c0_i32_1 = arith.constant 0 : i32
    return %get3A_0, %arg0, %c0_i32 : i32, i32, i32
  }
  func.func @transform_4(%arg0: i32, %arg1: i32, %arg2: memref<40xi32, #tpu.memory_space<smem>>, %arg3: memref<1xi32, #tpu.memory_space<smem>>) -> (i32, i32, i32) {
    %get3A = arith.index_cast %arg1 : i32 to index
    %get3A_0 = memref.load %arg2[%get3A] : memref<40xi32, #tpu.memory_space<smem>>
    %c0_i32 = arith.constant 0 : i32
    %c0_i32_1 = arith.constant 0 : i32
    %c0_i32_2 = arith.constant 0 : i32
    return %get3A_0, %c0_i32, %c0_i32_1 : i32, i32, i32
  }
  func.func @transform_5(%arg0: i32, %arg1: i32, %arg2: memref<40xi32, #tpu.memory_space<smem>>, %arg3: memref<1xi32, #tpu.memory_space<smem>>) -> (i32, i32) {
    %eq3A = arith.constant 1 : i32
    %eq3A_0 = arith.cmpi eq, %arg0, %eq3A : i32
    %jit3A = arith.constant 0 : i32
    %select_n3A = arith.select %eq3A_0, %arg1, %jit3A : i32
    %c0_i32 = arith.constant 0 : i32
    %c0_i32_1 = arith.constant 0 : i32
    return %select_n3A, %c0_i32 : i32, i32
  }
}

module attributes {stable_mosaic.version = 14 : i64} {
  func.func @_combine_body(%arg0: i32, %arg1: memref<256x2xf32, #tpu.memory_space<vmem>>, %arg2: memref<256x1024xf32, #tpu.memory_space<vmem>>, %arg3: memref<256x1024xf32, #tpu.memory_space<vmem>>, %arg4: memref<256x1024xf32, #tpu.memory_space<vmem>>) attributes {dimension_semantics = [#tpu.dimension_semantics<arbitrary>], iteration_bounds = array<i64: 8>, scalar_prefetch = 0 : i64, scratch_operands = 0 : i64, tpu.core_type = #tpu.core_type<tc>, window_params = [{transform_indices = @transform_0, window_bounds = array<i64: 256, 2>}, {transform_indices = @transform_1, window_bounds = array<i64: 256, 1024>}, {transform_indices = @transform_2, window_bounds = array<i64: 256, 1024>}, {transform_indices = @transform_3, window_bounds = array<i64: 256, 1024>}]} {
    %get3A = arith.constant 0 : index
    %get3A_0 = arith.constant 0 : index
    %get3A_1 = vector.load %arg1[%get3A, %get3A_0] : memref<256x2xf32, #tpu.memory_space<vmem>>, vector<256x2xf32>
    %slice3A = vector.extract_strided_slice %get3A_1 {offsets = [0, 0], sizes = [256, 1], strides = [1, 1]} : vector<256x2xf32> to vector<256x1xf32>
    %get3A_2 = arith.constant 0 : index
    %get3A_3 = arith.constant 0 : index
    %get3A_4 = vector.load %arg2[%get3A_2, %get3A_3] : memref<256x1024xf32, #tpu.memory_space<vmem>>, vector<256x1024xf32>
    %mul3A = vector.broadcast %slice3A : vector<256x1xf32> to vector<256x1024xf32>
    %mul3A_5 = arith.mulf %mul3A, %get3A_4 : vector<256x1024xf32>
    %slice3A_6 = vector.extract_strided_slice %get3A_1 {offsets = [0, 1], sizes = [256, 1], strides = [1, 1]} : vector<256x2xf32> to vector<256x1xf32>
    %get3A_7 = arith.constant 0 : index
    %get3A_8 = arith.constant 0 : index
    %get3A_9 = vector.load %arg3[%get3A_7, %get3A_8] : memref<256x1024xf32, #tpu.memory_space<vmem>>, vector<256x1024xf32>
    %mul3A_10 = vector.broadcast %slice3A_6 : vector<256x1xf32> to vector<256x1024xf32>
    %mul3A_11 = arith.mulf %mul3A_10, %get3A_9 : vector<256x1024xf32>
    %add3A = arith.addf %mul3A_5, %mul3A_11 : vector<256x1024xf32>
    %swap3A = arith.constant 0 : index
    %swap3A_12 = arith.constant 0 : index
    %swap3A_13 = vector.load %arg4[%swap3A, %swap3A_12] : memref<256x1024xf32, #tpu.memory_space<vmem>>, vector<256x1024xf32>
    tpu.vector_store %arg4[%swap3A, %swap3A_12], %add3A {strides = array<i32>} : memref<256x1024xf32, #tpu.memory_space<vmem>>, vector<256x1024xf32>,
    return
  }
  func.func @transform_0(%arg0: i32) -> (i32, i32) {
    %c0_i32 = arith.constant 0 : i32
    %c0_i32_0 = arith.constant 0 : i32
    return %arg0, %c0_i32 : i32, i32
  }
  func.func @transform_1(%arg0: i32) -> (i32, i32) {
    %c0_i32 = arith.constant 0 : i32
    %c0_i32_0 = arith.constant 0 : i32
    return %arg0, %c0_i32 : i32, i32
  }
  func.func @transform_2(%arg0: i32) -> (i32, i32) {
    %c0_i32 = arith.constant 0 : i32
    %c0_i32_0 = arith.constant 0 : i32
    return %arg0, %c0_i32 : i32, i32
  }
  func.func @transform_3(%arg0: i32) -> (i32, i32) {
    %c0_i32 = arith.constant 0 : i32
    %c0_i32_0 = arith.constant 0 : i32
    return %arg0, %c0_i32 : i32, i32
  }
}

</mosaic_0001>

<sc_bundles>
// kernel: kernel.10.cloned.1.call-start
scs
__scs_entry_jumppad:
0x0: {  	(pc) =	sbr.rel $0x88, $3  }
0x1: {  	(tag) =	ssettag $0x0;
	lr =	simm.s32 $0x1  }
0x2: {  	[smem:$0x3F98] =	sst lr;
	_ =	strace $0xD0000000  }
0x3: {  	_ = 	snop  }
0x4: {  	_ = 	snop  }
0x5: {  	_ = 	snop  }
0x6: {  	_ = 	snop  }
0x7: {  	_ = 	snop  }
__scs_overlays_trampoline_lowered:
0x8: {  	[smem:$0x3FA7] =	sst s0  }
0x9: {  	[smem:$0x3FA8] =	sst s1  }
0xa: {  	[smem:$0x3FA9] =	sst s2  }
0xb: {  	[smem:$0x3FAA] =	sst s3  }
0xc: {  	[smem:$0x3FAB] =	sst s4  }
0xd: {  	[smem:$0x3FAC] =	sst s5  }
0xe: {  	[smem:$0x3FAD] =	sst s6  }
0xf: {  	[smem:$0x3FAE] =	sst s7  }
0x10: {  	[smem:$0x3FAF] =	sst s8  }
0x11: {  	[smem:$0x3FB0] =	sst s9;
	s0 =	simm.s32 @!p0 $0x0  }
0x12: {  	s1 =	sld [smem:$0x3F96];
	s0 =	simm.s32 @p0 $0x1  }
0x13: {  	[smem:$0x3FB1] =	sst s0;
	s0 =	simm.s32 @!p1 $0x0  }
0x14: {  	s2 =	sld [smem:$0x3F95];
	s0 =	simm.s32 @p1 $0x1  }
0x15: {  	[smem:$0x3FB2] =	sst s0;
	s0 =	simm.s32 @!p2 $0x0  }
0x16: {  	s3 =	sld [smem:$0x3FDB];
	s0 =	simm.s32 @p2 $0x1  }
0x17: {  	s4 =	simm.s32 $0x1BF5;
	[smem:$0x3FB4] =	sst s0  }
0x18: {  	s0 =	sld [smem:$0x3F97];
	_ =	swait.ge [sflag:s4], $0x0  }
0x19: {  	s7 =	sld [smem:$0x3F98]  }
0x1a: {  	s8 =	sadd.s32 $0xFFFFE003, lr  }
0x1b: {  	s9 =	sadd.s32 $0xFFFFFEF7, lr;
	s5 =	simm.s32 $0xFFFFFFFF;
	p2 =	slt.u32 s8, $0xFFFFF086  }
0x1c: {  	p1 =	slt.u32 s9, $0xF7A;
	s5 =	simm.s32 @!p2 $0x0  }
0x1d: {  	s5 =	simm.s32 @p1 $0x1;
	p0 =	seq.s32 s7, s2  }
0x1e: {  	s7 =	smul.u32 @!p0 $0xF7A, s2;
	p2 =	seq.s32 @!p0 s5, $0x0  }
0x1f: {  	s9 =	smul.u32 $0xF7A, s1;
	s8 =	simm.s32 @!p0 $0x1BF5;
	p2 =	por !p2, p0  }
0x20: {  	[sflag:s8] =	ssyncset.s32 @!p0 $0xFFFFF086;
	s6 =	sadd.s32 @!p0 s3, s7;
	s7 =	simm.s32 @!p0 $0x108  }
0x21: {  	s3 =	sadd.s32 s3, s9;
	s6 =	sadd.s32 @!p0 $0x88, s6;
	s7 =	simm.s32 @p2 $0x1082  }
0x22: {  	[simem:s7], [sflag:s8] =	dma.local @!p0 [hbm:s6], $0xF7A  }
0x23: {  	s9 =	sor.u32 $0xD0000000, s2;
	s6 =	simm.s32 $0x108;
	_ =	swait.ge @!p0 [sflag:s8], $0x0  }
0x24: {  	s3 =	sadd.s32 $0x88, s3;
	s6 =	simm.s32 @!p1 $0x1082;
	[sflag:s4] =	ssyncset.s32 $0xFFFFF086  }
0x25: {  	[simem:s6], [sflag:s4] =	dma.local [hbm:s3], $0xF7A  }
0x26: {  	[smem:$0x3F98] =	sst s1;
	(tag) =	ssettag s2;
	_ =	strace s9  }
0x27: {  	s1 =	sld [smem:$0x3FA8]  }
0x28: {  	s2 =	sld [smem:$0x3FA9]  }
0x29: {  	s4 =	sld [smem:$0x3FAB]  }
0x2a: {  	p0 =	seq.s32 s5, $0x0;
	s5 =	sld [smem:$0x3FAC]  }
0x2b: {  	s6 =	sld [smem:$0x3FAD]  }
0x2c: {  	s7 =	sld [smem:$0x3FAE]  }
0x2d: {  	s3 =	simm.s32 $0x108;
	s8 =	sld [smem:$0x3FAF]  }
0x2e: {  	s3 =	simm.s32 @!p0 $0x1082;
	s9 =	sld [smem:$0x3FB0]  }
0x2f: {  	lr =	sadd.s32 s0, s3;
	s0 =	sld [smem:$0x3FA7]  }
0x30: {  	s3 =	sld [smem:$0x3FAA]  }
0x31: {  	[smem:$0x3FB3] =	sst s10  }
0x32: {  	s10 =	sld [smem:$0x3FB1];
	_ =	sdelay $0x3  }
0x33: {  	p0 =	seq.s32 s10, $0x1;
	s10 =	sld [smem:$0x3FB3];
	_ =	sdelay $0x3  }
0x34: {  	[smem:$0x3FB3] =	sst s10  }
0x35: {  	s10 =	sld [smem:$0x3FB2];
	_ =	sdelay $0x3  }
0x36: {  	p1 =	seq.s32 s10, $0x1;
	s10 =	sld [smem:$0x3FB3];
	_ =	sdelay $0x3  }
0x37: {  	[smem:$0x3FB3] =	sst s10  }
0x38: {  	s10 =	sld [smem:$0x3FB4]  }
0x39: {  	_ = 	snop;
	(pc) =	sbr.ind lr, $3  }
0x3a: {  	_ = 	snop  }
0x3b: {  	_ = 	snop  }
0x3c: {  	p2 =	seq.s32 s10, $0x1;
	s10 =	sld [smem:$0x3FB3]  }
0x3d: {  	_ =	shalt  }
0x3e: {  	_ =	shalt  }
0x3f: {  	_ =	shalt  }
0x40: {  	_ =	shalt  }
0x41: {  	_ =	shalt  }
0x42: {  	_ =	shalt  }
0x43: {  	_ =	shalt  }
0x44: {  	_ =	shalt  }
0x45: {  	_ =	shalt  }
0x46: {  	_ =	shalt  }
0x47: {  	_ =	shalt  }
0x48: {  	_ =	shalt  }
0x49: {  	_ =	shalt  }
0x4a: {  	_ =	shalt  }
0x4b: {  	_ =	shalt  }
0x4c: {  	_ =	shalt  }
0x4d: {  	_ =	shalt  }
0x4e: {  	_ =	shalt  }
0x4f: {  	_ =	shalt  }
0x50: {  	_ =	shalt  }
0x51: {  	_ =	shalt  }
0x52: {  	_ =	shalt  }
0x53: {  	_ =	shalt  }
0x54: {  	_ =	shalt  }
0x55: {  	_ =	shalt  }
0x56: {  	_ =	shalt  }
0x57: {  	_ =	shalt  }
0x58: {  	_ =	shalt  }
0x59: {  	_ =	shalt  }
0x5a: {  	_ =	shalt  }
0x5b: {  	_ =	shalt  }
0x5c: {  	_ =	shalt  }
0x5d: {  	_ =	shalt  }
0x5e: {  	_ =	shalt  }
0x5f: {  	_ =	shalt  }
0x60: {  	_ =	shalt  }
0x61: {  	_ =	shalt  }
0x62: {  	_ =	shalt  }
0x63: {  	_ =	shalt  }
0x64: {  	_ =	shalt  }
0x65: {  	_ =	shalt  }
0x66: {  	_ =	shalt  }
0x67: {  	_ =	shalt  }
0x68: {  	_ =	shalt  }
0x69: {  	_ =	shalt  }
0x6a: {  	_ =	shalt  }
0x6b: {  	_ =	shalt  }
0x6c: {  	_ =	shalt  }
0x6d: {  	_ =	shalt  }
0x6e: {  	_ =	shalt  }
0x6f: {  	_ =	shalt  }
0x70: {  	_ =	shalt  }
0x71: {  	_ =	shalt  }
0x72: {  	_ =	shalt  }
0x73: {  	_ =	shalt  }
0x74: {  	_ =	shalt  }
0x75: {  	_ =	shalt  }
0x76: {  	_ =	shalt  }
0x77: {  	_ =	shalt  }
0x78: {  	_ =	shalt  }
0x79: {  	_ =	shalt  }
0x7a: {  	_ =	shalt  }
0x7b: {  	_ =	shalt  }
0x7c: {  	_ =	shalt  }
0x7d: {  	_ =	shalt  }
0x7e: {  	_ =	shalt  }
0x7f: {  	_ =	shalt  }
0x80: {  	_ =	shalt  }
0x81: {  	_ =	shalt  }
0x82: {  	_ =	shalt  }
0x83: {  	_ =	shalt  }
0x84: {  	_ =	shalt  }
0x85: {  	_ =	shalt  }
0x86: {  	_ =	shalt  }
0x87: {  	_ =	shalt  }
.Lfunc_end0:
.L_simem_size_0:
called_computation.1_lowered:
.L_overlay_start_0:
0x88: {  	s2 =	sld [smem:$0x3FD9]  }
0x89: {  	s3 =	sld [smem:$0x3FFE];
	_ =	sdelay $0x1  }
0x8a: {  	s1 =	srdreg.scid  }
0x8b: {  	s0 =	sand.u32 $0x1, s1  }
0x8c: {  	s17 =	sshll.u32 s0, $0xA;
	s2 =	sadd.s32 s3, s2  }
0x8d: {  	s2 =	sadd.s32 s2, s17  }
0x8e: {  	[smem:$0x3FBF] =	sst s2  }
0x8f: {  	_ = 	snop  }
0x90: {  	s2 =	sld [smem:$0x3FD0];
	(tm) =	ssettm $0x1  }
0x91: {  	s18 =	sld [smem:$0x3FFB];
	_ =	sdelay $0x3  }
0x92: {  	_ =	strace s18  }
0x93: {  	s3 =	sld [smem:$0x3FFC];
	_ =	sdelay $0x3  }
0x94: {  	_ =	strace s3  }
0x95: {  	s3 =	sld [smem:$0x3FFD];
	_ =	sdelay $0x3  }
0x96: {  	_ =	strace s3  }
0x97: {  	_ =	strace $0x8FFFFFFF  }
0x98: {  	s19 =	sld [smem:$0x3FDB];
	_ =	sdelay $0x1  }
0x99: {  	s4 =	simm.s32 $_scs_section_size  }
0x9a: {  	s5 =	simm.s32 $_size__tile_overlayer_lowered;
	s6 =	simm.s32 $_tile_overlayer_lowered  }
0x9b: {  	s22 =	simm.s32 $0x1BFF;
	s21 =	sshll.u32 s6, $0x1;
	s3 =	sadd.s32 s4, s19  }
0x9c: {  	s7 =	simm.s32 $0x0;
	s20 =	sshll.u32 s5, $0x1;
	s5 =	sadd.s32 s21, s3  }
0x9d: {  	[timem:s7], [sflag:s22] =	dma.local [hbm:s5], s20  }
0x9e: {  	_ =	swait.ge [sflag:s22], s20  }
0x9f: {  	s4 =	ssub.s32 $0x0, s20;
	[sflag:s22] =	ssyncset.done $0x0  }
0xa0: {  	[sflag:s22] =	ssyncadd.s32 s4;
	_ =	sdelay $0x1  }
0xa1: {  	s23 =	simm.s32 $0x1B8B  }
0xa2: {  	_ =	swait.ge [sflag:s23], $0x1  }
0xa3: {  	[sflag:s23] =	ssyncset.done $0x0  }
0xa4: {  	s25 =	simm.s32 $0x1B8E;
	s24 =	sld [smem:$0x3FFE];
	[sflag:s23] =	ssyncadd.s32 $0xFFFFFFFF  }
0xa5: {  	s26 =	simm.s32 $execute0_lowered;
	[smem:$0x3FD2] =	sst s25  }
0xa6: {  	s5 =	sshll.u32 s26, $0x1;
	_ =	strace $0x80000049;
	[dreg:$0x1] =	wrdreg $0xFFFFFFFF  }
0xa7: {  	s28 =	simm.s32 $_size_execute0_lowered;
	s3 =	sadd.s32 s3, s5;
	[dreg:$0x0] =	wrdreg $0x0  }
0xa8: {  	s5 =	sshll.u32 s28, $0x1;
	[dreg:$0x2] =	wrdreg s3  }
0xa9: {  	[dreg:$0x3] =	wrdreg s5  }
0xaa: {  	[dreg:$0x4] =	wrdreg $0xC0  }
0xab: {  	_ =	task [dreg:s7], $0x5FFFF  }
0xac: {  	[dreg:$0x1] =	wrdreg $0xFFFFFFFF  }
0xad: {  	[dreg:$0x0] =	wrdreg $0x60  }
0xae: {  	[dreg:$0x2] =	wrdreg s24  }
0xaf: {  	[dreg:$0x3] =	wrdreg s2  }
0xb0: {  	[dreg:$0x4] =	wrdreg $0x9  }
0xb1: {  	_ =	task.clear_ibuf [dreg:s7], $0x5FFFF;
	_ =	strace $0x90000049  }
0xb2: {  	s29 =	simm.s32 $0x9;
	_ =	strace $0x8000004B  }
0xb3: {  	_ =	swait.ge [sflag:s29], $0x1  }
0xb4: {  	[sflag:s29] =	ssyncadd.s32 $0xFFFFFFFF  }
0xb5: {  	_ =	strace $0x9000004B  }
0xb6: {  	_ =	sfence  }
0xb7: {  	s30 =	sld [smem:$0x0];
	_ =	sdelay $0x2  }
0xb8: {  	s31 =	sshll.u32 s1, $0xD;
	s1 =	sshrl.u32 s1, $0x2  }
0xb9: {  	s3 =	sand.u32 $0x4000, s31;
	s1 =	sadd.s32 s1, s30  }
0xba: {  	s0 =	sor.u32 s3, s0;
	s1 =	sshll.u32 s1, $0x11  }
0xbb: {  	s0 =	sor.u32 s1, s0  }
0xbc: {  	s0 =	sadd.s32 $0x8F2B, s0  }
0xbd: {  	[sflag:s0] =	ssyncadd.remote.s32 $0x1  }
0xbe: {  	_ =	sfence.sel $0xFFFF  }
0xbf: {  	[dreg:$0x0] =	wrdreg $0xFFFFFFFF;
	(pc) =	sbr.abs _section_cstart, $3  }
0xc0: {  	[dreg:$0x1] =	wrdreg $0xFFFFFFFF  }
0xc1: {  	_ =	task.clear_ibuf [dreg:s7], $0x2FFFF;
	_ =	strace $0x9FFFFFFF  }
0xc2: {  	(tm) =	ssettm $0x7FFFFFFF  }
0xc3: {  	_ =	shalt  }
tec
execute0_lowered:
.L_overlay_start_1:
0x0: {  	(tag) =	ssettag $0x1  }
0x1: {  	s0 =	rddreg [dreg:$0x0]  }
0x2: {  	s1 =	rddreg [dreg:$0x1];
	s3 =	srdreg.scid  }
0x3: {  	s2 =	simm.s32 $0x0;
	s5 =	stileid.u32;
	s18 =	simm.s32 $0x1  }
0x4: {  	s20 =	simm.s32 $0x880;
	s21 =	simm.s32 $0x1080;
	s28 =	simm.s32 $0x4080  }
0x5: {  	s29 =	simm.s32 $0x4880;
	s30 =	simm.s32 $0x5080;
	s31 =	simm.s32 $0x5880  }
0x6: {  	s10 =	simm.s32 $0x7080;
	s11 =	simm.s32 $0x7880;
	s12 =	simm.s32 $0x8080  }
0x7: {  	s13 =	simm.s32 $0x8880;
	s14 =	simm.s32 $0x9080;
	s15 =	simm.s32 $0x9880  }
0x8: {  	s16 =	simm.s32 $0xA080;
	s17 =	simm.s32 $0xA880;
	s9 =	simm.s32 $0xB080  }
0x9: {  	s4 =	sand.u32 $0x1, s3;
	[smem:$0x7FF] =	sst s2;
	s22 =	sshll.u32 s5, $0x7  }
0xa: {  	s3 =	sadd.s32 $0xAA400, s0;
	s23 =	sshll.u32 s4, $0x6;
	s4 =	ssub.s32 $0x2, s4  }
0xb: {  	_ =	strace $0x8000004A;
	s5 =	sor.u32 s23, s22;
	s7 =	sshrl.u32 s4, $0x1  }
0xc: {  	s22 =	simm.s32 $0x1880;
	s23 =	simm.s32 $0x2080;
	s6 =	sshrl.u32 s5, $0x3  }
0xd: {  	s5 =	sshll.u32 s5, $0x7;
	s7 =	ssub.s32 s4, s7;
	s4 =	sadd.s32 $0xAA500, s0  }
0xe: {  	s6 =	sadd.s32 s6, s0;
	s8 =	sadd.s32 s5, s0;
	s1 =	sadd.s32 s1, s5  }
0xf: {  	s5 =	sadd.s32 $0xAA600, s0;
	s24 =	sadd.s32 $0xAA200, s6;
	[dreg:$0x4] =	wrdreg s1  }
0x10: {  	s7 =	smax.u32 s7, $0x1;
	s25 =	sadd.s32 $0xAA000, s6;
	[dreg:$0x3] =	wrdreg s24  }
0x11: {  	v2 =	vlaneseq.u32;
	s6 =	sadd.s32 $0xAA700, s0;
	s26 =	sadd.s32 $0x9800, s8;
	[dreg:$0x5] =	wrdreg s25  }
0x12: {  	vm0 =	vmmov $0xffff;
	v1 =	vshrl.u32 v2, $0x3;
	s8 =	simm.s32 $0x2;
	s0 =	simm.s32 $0x80;
	[dreg:$0x6] =	wrdreg s26  }
0x13: {  	v0 =	vand.u32 $0x7, v2;
	v2 =	vor.u32 $0x8, v2;
	v1 =	vmul.u32 $0x8, v1;
	s24 =	simm.s32 $0x2880;
	s25 =	simm.s32 $0x3080;
	s26 =	simm.s32 $0x3880  }
.LBB2_1:
0x14: {  	s19 =	rddreg [dreg:$0x3]  }
0x15: {  	[tilespmem:s2], [sflag:$0x2] =	stream.linear.gather [hbm4b:s19+s2], $0x40, $0x38;
	[tilespmem:$0x10080] =	vst v63  }
0x16: {  	_ =	swait.ge [sflag:s8], $0x40  }
0x17: {  	[sflag:s8] =	ssyncset.done $0x0  }
0x18: {  	[sflag:s8] =	ssyncadd.s32 $0xFFFFFFC0  }
0x19: {  	v3 =	vld [tilespmem:$0x0];
	_ =	sdelay $0x4  }
0x1a: {  	v4 =	vshll.u32 v3, $0x3  }
0x1b: {  	v3 =	vand.u32 $0x7, v3;
	v4 =	vand.u32 $0xFFFFFFC0, v4  }
0x1c: {  	v3 =	vor.u32 v3, v4  }
0x1d: {  	v4 =	vperm.xlane v3, v0;
	_ =	sdelay $0x1  }
0x1e: {  	v4 =	vadd.s32 v1, v4;
	_ =	sdelay $0x4  }
0x1f: {  	[tilespmem:s0], [sflag:$0x1] =	stream.indirect_vreg.gather [hbm4b:s3+s2], $0x80, v4, vm0, $0xb8;
	[tilespmem:$0x10080] =	vst v63  }
0x20: {  	v3 =	vperm.xlane v3, v2  }
0x21: {  	[tilespmem:s20], [sflag:$0x1] =	stream.indirect_vreg.gather [hbm4b:s4+s2], $0x80, v4, vm0, $0xb8;
	[tilespmem:$0x10080] =	vst v63  }
0x22: {  	v3 =	vadd.s32 v1, v3  }
0x23: {  	[tilespmem:s21], [sflag:$0x1] =	stream.indirect_vreg.gather [hbm4b:s5+s2], $0x80, v4, vm0, $0xb8;
	[tilespmem:$0x10080] =	vst v63  }
0x24: {  	_ = 	snop  }
0x25: {  	[tilespmem:s22], [sflag:$0x1] =	stream.indirect_vreg.gather [hbm4b:s6+s2], $0x80, v4, vm0, $0xb8;
	[tilespmem:$0x10080] =	vst v63  }
0x26: {  	_ = 	snop  }
0x27: {  	[tilespmem:s23], [sflag:$0x1] =	stream.indirect_vreg.gather [hbm4b:s3+s2], $0x80, v3, vm0, $0xb8;
	[tilespmem:$0x10080] =	vst v63  }
0x28: {  	_ = 	snop  }
0x29: {  	[tilespmem:s24], [sflag:$0x1] =	stream.indirect_vreg.gather [hbm4b:s4+s2], $0x80, v3, vm0, $0xb8;
	[tilespmem:$0x10080] =	vst v63  }
0x2a: {  	_ = 	snop  }
0x2b: {  	[tilespmem:s25], [sflag:$0x1] =	stream.indirect_vreg.gather [hbm4b:s5+s2], $0x80, v3, vm0, $0xb8;
	[tilespmem:$0x10080] =	vst v63  }
0x2c: {  	_ = 	snop  }
0x2d: {  	[tilespmem:s26], [sflag:$0x1] =	stream.indirect_vreg.gather [hbm4b:s6+s2], $0x80, v3, vm0, $0xb8;
	[tilespmem:$0x10080] =	vst v63  }
0x2e: {  	v3 =	vld [tilespmem:$0x10];
	_ =	sdelay $0x4  }
0x2f: {  	v57 =	vshll.u32 v3, $0x3  }
0x30: {  	v3 =	vand.u32 $0x7, v3;
	v4 =	vand.u32 $0xFFFFFFC0, v57  }
0x31: {  	v3 =	vor.u32 v3, v4  }
0x32: {  	v4 =	vperm.xlane v3, v0;
	_ =	sdelay $0x1  }
0x33: {  	v4 =	vadd.s32 v1, v4;
	_ =	sdelay $0x4  }
0x34: {  	[tilespmem:s28], [sflag:$0x1] =	stream.indirect_vreg.gather [hbm4b:s3+s2], $0x80, v4, vm0, $0xb8;
	[tilespmem:$0x10080] =	vst v63  }
0x35: {  	v3 =	vperm.xlane v3, v2  }
0x36: {  	[tilespmem:s29], [sflag:$0x1] =	stream.indirect_vreg.gather [hbm4b:s4+s2], $0x80, v4, vm0, $0xb8;
	[tilespmem:$0x10080] =	vst v63  }
0x37: {  	v3 =	vadd.s32 v1, v3  }
0x38: {  	[tilespmem:s30], [sflag:$0x1] =	stream.indirect_vreg.gather [hbm4b:s5+s2], $0x80, v4, vm0, $0xb8;
	[tilespmem:$0x10080] =	vst v63  }
0x39: {  	_ = 	snop  }
0x3a: {  	[tilespmem:s31], [sflag:$0x1] =	stream.indirect_vreg.gather [hbm4b:s6+s2], $0x80, v4, vm0, $0xb8;
	[tilespmem:$0x10080] =	vst v63  }
0x3b: {  	s1 =	simm.s32 $0x6080  }
0x3c: {  	[tilespmem:s1], [sflag:$0x1] =	stream.indirect_vreg.gather [hbm4b:s3+s2], $0x80, v3, vm0, $0xb8;
	[tilespmem:$0x10080] =	vst v63  }
0x3d: {  	s1 =	simm.s32 $0x6880  }
0x3e: {  	[tilespmem:s1], [sflag:$0x1] =	stream.indirect_vreg.gather [hbm4b:s4+s2], $0x80, v3, vm0, $0xb8;
	[tilespmem:$0x10080] =	vst v63  }
0x3f: {  	_ = 	snop  }
0x40: {  	[tilespmem:s10], [sflag:$0x1] =	stream.indirect_vreg.gather [hbm4b:s5+s2], $0x80, v3, vm0, $0xb8;
	[tilespmem:$0x10080] =	vst v63  }
0x41: {  	_ = 	snop  }
0x42: {  	[tilespmem:s11], [sflag:$0x1] =	stream.indirect_vreg.gather [hbm4b:s6+s2], $0x80, v3, vm0, $0xb8;
	[tilespmem:$0x10080] =	vst v63  }
0x43: {  	v3 =	vld [tilespmem:$0x20];
	_ =	sdelay $0x4  }
0x44: {  	v58 =	vshll.u32 v3, $0x3  }
0x45: {  	v3 =	vand.u32 $0x7, v3;
	v4 =	vand.u32 $0xFFFFFFC0, v58  }
0x46: {  	v3 =	vor.u32 v3, v4  }
0x47: {  	v4 =	vperm.xlane v3, v0;
	_ =	sdelay $0x1  }
0x48: {  	v4 =	vadd.s32 v1, v4;
	_ =	sdelay $0x4  }
0x49: {  	[tilespmem:s12], [sflag:$0x1] =	stream.indirect_vreg.gather [hbm4b:s3+s2], $0x80, v4, vm0, $0xb8;
	[tilespmem:$0x10080] =	vst v63  }
0x4a: {  	v3 =	vperm.xlane v3, v2  }
0x4b: {  	[tilespmem:s13], [sflag:$0x1] =	stream.indirect_vreg.gather [hbm4b:s4+s2], $0x80, v4, vm0, $0xb8;
	[tilespmem:$0x10080] =	vst v63  }
0x4c: {  	v3 =	vadd.s32 v1, v3  }
0x4d: {  	[tilespmem:s14], [sflag:$0x1] =	stream.indirect_vreg.gather [hbm4b:s5+s2], $0x80, v4, vm0, $0xb8;
	[tilespmem:$0x10080] =	vst v63  }
0x4e: {  	_ = 	snop  }
0x4f: {  	[tilespmem:s15], [sflag:$0x1] =	stream.indirect_vreg.gather [hbm4b:s6+s2], $0x80, v4, vm0, $0xb8;
	[tilespmem:$0x10080] =	vst v63  }
0x50: {  	_ = 	snop  }
0x51: {  	[tilespmem:s16], [sflag:$0x1] =	stream.indirect_vreg.gather [hbm4b:s3+s2], $0x80, v3, vm0, $0xb8;
	[tilespmem:$0x10080] =	vst v63  }
0x52: {  	_ = 	snop  }
0x53: {  	[tilespmem:s17], [sflag:$0x1] =	stream.indirect_vreg.gather [hbm4b:s4+s2], $0x80, v3, vm0, $0xb8;
	[tilespmem:$0x10080] =	vst v63  }
0x54: {  	_ = 	snop  }
0x55: {  	[tilespmem:s9], [sflag:$0x1] =	stream.indirect_vreg.gather [hbm4b:s5+s2], $0x80, v3, vm0, $0xb8;
	[tilespmem:$0x10080] =	vst v63  }
0x56: {  	s19 =	simm.s32 $0xB880  }
0x57: {  	[tilespmem:s19], [sflag:$0x1] =	stream.indirect_vreg.gather [hbm4b:s6+s2], $0x80, v3, vm0, $0xb8;
	[tilespmem:$0x10080] =	vst v63  }
0x58: {  	v3 =	vld [tilespmem:$0x30];
	_ =	sdelay $0x4  }
0x59: {  	v59 =	vshll.u32 v3, $0x3  }
0x5a: {  	v3 =	vand.u32 $0x7, v3;
	v4 =	vand.u32 $0xFFFFFFC0, v59  }
0x5b: {  	v3 =	vor.u32 v3, v4  }
0x5c: {  	v4 =	vperm.xlane v3, v0;
	_ =	sdelay $0x1  }
0x5d: {  	v4 =	vadd.s32 v1, v4;
	_ =	sdelay $0x3  }
0x5e: {  	s19 =	simm.s32 $0xC080  }
0x5f: {  	[tilespmem:s19], [sflag:$0x1] =	stream.indirect_vreg.gather [hbm4b:s3+s2], $0x80, v4, vm0, $0xb8;
	[tilespmem:$0x10080] =	vst v63  }
0x60: {  	v3 =	vperm.xlane v3, v2;
	s19 =	simm.s32 $0xC880  }
0x61: {  	[tilespmem:s19], [sflag:$0x1] =	stream.indirect_vreg.gather [hbm4b:s4+s2], $0x80, v4, vm0, $0xb8;
	[tilespmem:$0x10080] =	vst v63  }
0x62: {  	v3 =	vadd.s32 v1, v3;
	s19 =	simm.s32 $0xD080  }
0x63: {  	[tilespmem:s19], [sflag:$0x1] =	stream.indirect_vreg.gather [hbm4b:s5+s2], $0x80, v4, vm0, $0xb8;
	[tilespmem:$0x10080] =	vst v63  }
0x64: {  	s19 =	simm.s32 $0xD880  }
0x65: {  	[tilespmem:s19], [sflag:$0x1] =	stream.indirect_vreg.gather [hbm4b:s6+s2], $0x80, v4, vm0, $0xb8;
	[tilespmem:$0x10080] =	vst v63  }
0x66: {  	s19 =	simm.s32 $0xE080  }
0x67: {  	[tilespmem:s19], [sflag:$0x1] =	stream.indirect_vreg.gather [hbm4b:s3+s2], $0x80, v3, vm0, $0xb8;
	[tilespmem:$0x10080] =	vst v63  }
0x68: {  	s19 =	simm.s32 $0xE880  }
0x69: {  	[tilespmem:s19], [sflag:$0x1] =	stream.indirect_vreg.gather [hbm4b:s4+s2], $0x80, v3, vm0, $0xb8;
	[tilespmem:$0x10080] =	vst v63  }
0x6a: {  	s19 =	simm.s32 $0xF080  }
0x6b: {  	[tilespmem:s19], [sflag:$0x1] =	stream.indirect_vreg.gather [hbm4b:s5+s2], $0x80, v3, vm0, $0xb8;
	[tilespmem:$0x10080] =	vst v63  }
0x6c: {  	s19 =	simm.s32 $0xF880  }
0x6d: {  	[tilespmem:s19], [sflag:$0x1] =	stream.indirect_vreg.gather [hbm4b:s6+s2], $0x80, v3, vm0, $0xb8;
	[tilespmem:$0x10080] =	vst v63  }
0x6e: {  	_ =	swait.ge [sflag:s18], $0x10000  }
0x6f: {  	[sflag:s18] =	ssyncset.done $0x0  }
0x70: {  	s19 =	rddreg [dreg:$0x4];
	[sflag:s18] =	ssyncadd.s32 $0xFFFF0000  }
0x71: {  	[hbm4b:s19+s2] =	stream.linear.scatter [tilespmem:s0], [sflag:$0x2], $0x10000, $0x38;
	[tilespmem:$0x10080] =	vst v63  }
0x72: {  	_ =	swait.ge [sflag:s8], $0x10000  }
0x73: {  	[sflag:s8] =	ssyncset.done $0x0  }
0x74: {  	s19 =	rddreg [dreg:$0x5];
	[sflag:s8] =	ssyncadd.s32 $0xFFFF0000  }
0x75: {  	[tilespmem:s2], [sflag:$0x2] =	stream.linear.gather [hbm4b:s19+s2], $0x40, $0x38;
	[tilespmem:$0x10080] =	vst v63  }
0x76: {  	_ =	swait.ge [sflag:s8], $0x40  }
0x77: {  	[sflag:s8] =	ssyncset.done $0x0  }
0x78: {  	[sflag:s8] =	ssyncadd.s32 $0xFFFFFFC0  }
0x79: {  	v3 =	vld [tilespmem:$0x0];
	_ =	sdelay $0x4  }
0x7a: {  	v60 =	vshll.u32 v3, $0x3  }
0x7b: {  	v3 =	vand.u32 $0x7, v3;
	v4 =	vand.u32 $0xFFFFFFC0, v60  }
0x7c: {  	v3 =	vor.u32 v3, v4  }
0x7d: {  	v4 =	vperm.xlane v3, v0;
	_ =	sdelay $0x1  }
0x7e: {  	v4 =	vadd.s32 v1, v4;
	_ =	sdelay $0x4  }
0x7f: {  	[tilespmem:s0], [sflag:$0x1] =	stream.indirect_vreg.gather [hbm4b:s3+s2], $0x80, v4, vm0, $0xb8;
	[tilespmem:$0x10080] =	vst v63  }
0x80: {  	v3 =	vperm.xlane v3, v2  }
0x81: {  	[tilespmem:s20], [sflag:$0x1] =	stream.indirect_vreg.gather [hbm4b:s4+s2], $0x80, v4, vm0, $0xb8;
	[tilespmem:$0x10080] =	vst v63  }
0x82: {  	v3 =	vadd.s32 v1, v3  }
0x83: {  	[tilespmem:s21], [sflag:$0x1] =	stream.indirect_vreg.gather [hbm4b:s5+s2], $0x80, v4, vm0, $0xb8;
	[tilespmem:$0x10080] =	vst v63  }
0x84: {  	_ = 	snop  }
0x85: {  	[tilespmem:s22], [sflag:$0x1] =	stream.indirect_vreg.gather [hbm4b:s6+s2], $0x80, v4, vm0, $0xb8;
	[tilespmem:$0x10080] =	vst v63  }
0x86: {  	_ = 	snop  }
0x87: {  	[tilespmem:s23], [sflag:$0x1] =	stream.indirect_vreg.gather [hbm4b:s3+s2], $0x80, v3, vm0, $0xb8;
	[tilespmem:$0x10080] =	vst v63  }
0x88: {  	_ = 	snop  }
0x89: {  	[tilespmem:s24], [sflag:$0x1] =	stream.indirect_vreg.gather [hbm4b:s4+s2], $0x80, v3, vm0, $0xb8;
	[tilespmem:$0x10080] =	vst v63  }
0x8a: {  	_ = 	snop  }
0x8b: {  	[tilespmem:s25], [sflag:$0x1] =	stream.indirect_vreg.gather [hbm4b:s5+s2], $0x80, v3, vm0, $0xb8;
	[tilespmem:$0x10080] =	vst v63  }
0x8c: {  	_ = 	snop  }
0x8d: {  	[tilespmem:s26], [sflag:$0x1] =	stream.indirect_vreg.gather [hbm4b:s6+s2], $0x80, v3, vm0, $0xb8;
	[tilespmem:$0x10080] =	vst v63  }
0x8e: {  	v3 =	vld [tilespmem:$0x10];
	_ =	sdelay $0x4  }
0x8f: {  	v61 =	vshll.u32 v3, $0x3  }
0x90: {  	v3 =	vand.u32 $0x7, v3;
	v4 =	vand.u32 $0xFFFFFFC0, v61  }
0x91: {  	v3 =	vor.u32 v3, v4  }
0x92: {  	v4 =	vperm.xlane v3, v0;
	_ =	sdelay $0x1  }
0x93: {  	v4 =	vadd.s32 v1, v4;
	_ =	sdelay $0x4  }
0x94: {  	[tilespmem:s28], [sflag:$0x1] =	stream.indirect_vreg.gather [hbm4b:s3+s2], $0x80, v4, vm0, $0xb8;
	[tilespmem:$0x10080] =	vst v63  }
0x95: {  	v3 =	vperm.xlane v3, v2  }
0x96: {  	[tilespmem:s29], [sflag:$0x1] =	stream.indirect_vreg.gather [hbm4b:s4+s2], $0x80, v4, vm0, $0xb8;
	[tilespmem:$0x10080] =	vst v63  }
0x97: {  	v3 =	vadd.s32 v1, v3  }
0x98: {  	[tilespmem:s30], [sflag:$0x1] =	stream.indirect_vreg.gather [hbm4b:s5+s2], $0x80, v4, vm0, $0xb8;
	[tilespmem:$0x10080] =	vst v63  }
0x99: {  	_ = 	snop  }
0x9a: {  	[tilespmem:s31], [sflag:$0x1] =	stream.indirect_vreg.gather [hbm4b:s6+s2], $0x80, v4, vm0, $0xb8;
	[tilespmem:$0x10080] =	vst v63  }
0x9b: {  	s19 =	simm.s32 $0x6080  }
0x9c: {  	[tilespmem:s19], [sflag:$0x1] =	stream.indirect_vreg.gather [hbm4b:s3+s2], $0x80, v3, vm0, $0xb8;
	[tilespmem:$0x10080] =	vst v63  }
0x9d: {  	_ = 	snop  }
0x9e: {  	[tilespmem:s1], [sflag:$0x1] =	stream.indirect_vreg.gather [hbm4b:s4+s2], $0x80, v3, vm0, $0xb8;
	[tilespmem:$0x10080] =	vst v63  }
0x9f: {  	_ = 	snop  }
0xa0: {  	[tilespmem:s10], [sflag:$0x1] =	stream.indirect_vreg.gather [hbm4b:s5+s2], $0x80, v3, vm0, $0xb8;
	[tilespmem:$0x10080] =	vst v63  }
0xa1: {  	_ = 	snop  }
0xa2: {  	[tilespmem:s11], [sflag:$0x1] =	stream.indirect_vreg.gather [hbm4b:s6+s2], $0x80, v3, vm0, $0xb8;
	[tilespmem:$0x10080] =	vst v63  }
0xa3: {  	v3 =	vld [tilespmem:$0x20];
	_ =	sdelay $0x4  }
0xa4: {  	v62 =	vshll.u32 v3, $0x3  }
0xa5: {  	v3 =	vand.u32 $0x7, v3;
	v4 =	vand.u32 $0xFFFFFFC0, v62  }
0xa6: {  	v3 =	vor.u32 v3, v4  }
0xa7: {  	v4 =	vperm.xlane v3, v0;
	_ =	sdelay $0x1  }
0xa8: {  	v4 =	vadd.s32 v1, v4;
	_ =	sdelay $0x4  }
0xa9: {  	[tilespmem:s12], [sflag:$0x1] =	stream.indirect_vreg.gather [hbm4b:s3+s2], $0x80, v4, vm0, $0xb8;
	[tilespmem:$0x10080] =	vst v63  }
0xaa: {  	v3 =	vperm.xlane v3, v2  }
0xab: {  	[tilespmem:s13], [sflag:$0x1] =	stream.indirect_vreg.gather [hbm4b:s4+s2], $0x80, v4, vm0, $0xb8;
	[tilespmem:$0x10080] =	vst v63  }
0xac: {  	v3 =	vadd.s32 v1, v3  }
0xad: {  	[tilespmem:s14], [sflag:$0x1] =	stream.indirect_vreg.gather [hbm4b:s5+s2], $0x80, v4, vm0, $0xb8;
	[tilespmem:$0x10080] =	vst v63  }
0xae: {  	_ = 	snop  }
0xaf: {  	[tilespmem:s15], [sflag:$0x1] =	stream.indirect_vreg.gather [hbm4b:s6+s2], $0x80, v4, vm0, $0xb8;
	[tilespmem:$0x10080] =	vst v63  }
0xb0: {  	_ = 	snop  }
0xb1: {  	[tilespmem:s16], [sflag:$0x1] =	stream.indirect_vreg.gather [hbm4b:s3+s2], $0x80, v3, vm0, $0xb8;
	[tilespmem:$0x10080] =	vst v63  }
0xb2: {  	_ = 	snop  }
0xb3: {  	[tilespmem:s17], [sflag:$0x1] =	stream.indirect_vreg.gather [hbm4b:s4+s2], $0x80, v3, vm0, $0xb8;
	[tilespmem:$0x10080] =	vst v63  }
0xb4: {  	_ = 	snop  }
0xb5: {  	[tilespmem:s9], [sflag:$0x1] =	stream.indirect_vreg.gather [hbm4b:s5+s2], $0x80, v3, vm0, $0xb8;
	[tilespmem:$0x10080] =	vst v63  }
0xb6: {  	s19 =	simm.s32 $0xB880  }
0xb7: {  	[tilespmem:s19], [sflag:$0x1] =	stream.indirect_vreg.gather [hbm4b:s6+s2], $0x80, v3, vm0, $0xb8;
	[tilespmem:$0x10080] =	vst v63  }
0xb8: {  	v3 =	vld [tilespmem:$0x30];
	_ =	sdelay $0x4  }
0xb9: {  	v63 =	vshll.u32 v3, $0x3  }
0xba: {  	v3 =	vand.u32 $0x7, v3;
	v4 =	vand.u32 $0xFFFFFFC0, v63  }
0xbb: {  	v3 =	vor.u32 v3, v4  }
0xbc: {  	v4 =	vperm.xlane v3, v0;
	_ =	sdelay $0x1  }
0xbd: {  	v4 =	vadd.s32 v1, v4;
	_ =	sdelay $0x3  }
0xbe: {  	s19 =	simm.s32 $0xC080  }
0xbf: {  	[tilespmem:s19], [sflag:$0x1] =	stream.indirect_vreg.gather [hbm4b:s3+s2], $0x80, v4, vm0, $0xb8;
	[tilespmem:$0x10080] =	vst v63  }
0xc0: {  	v3 =	vperm.xlane v3, v2;
	s19 =	simm.s32 $0xC880  }
0xc1: {  	[tilespmem:s19], [sflag:$0x1] =	stream.indirect_vreg.gather [hbm4b:s4+s2], $0x80, v4, vm0, $0xb8;
	[tilespmem:$0x10080] =	vst v63  }
0xc2: {  	v3 =	vadd.s32 v1, v3;
	s19 =	simm.s32 $0xD080  }
0xc3: {  	[tilespmem:s19], [sflag:$0x1] =	stream.indirect_vreg.gather [hbm4b:s5+s2], $0x80, v4, vm0, $0xb8;
	[tilespmem:$0x10080] =	vst v63  }
0xc4: {  	s19 =	simm.s32 $0xD880  }
0xc5: {  	[tilespmem:s19], [sflag:$0x1] =	stream.indirect_vreg.gather [hbm4b:s6+s2], $0x80, v4, vm0, $0xb8;
	[tilespmem:$0x10080] =	vst v63  }
0xc6: {  	s19 =	simm.s32 $0xE080  }
0xc7: {  	[tilespmem:s19], [sflag:$0x1] =	stream.indirect_vreg.gather [hbm4b:s3+s2], $0x80, v3, vm0, $0xb8;
	[tilespmem:$0x10080] =	vst v63  }
0xc8: {  	s19 =	simm.s32 $0xE880  }
0xc9: {  	[tilespmem:s19], [sflag:$0x1] =	stream.indirect_vreg.gather [hbm4b:s4+s2], $0x80, v3, vm0, $0xb8;
	[tilespmem:$0x10080] =	vst v63  }
0xca: {  	s19 =	simm.s32 $0xF080  }
0xcb: {  	[tilespmem:s19], [sflag:$0x1] =	stream.indirect_vreg.gather [hbm4b:s5+s2], $0x80, v3, vm0, $0xb8;
	[tilespmem:$0x10080] =	vst v63  }
0xcc: {  	s19 =	simm.s32 $0xF880  }
0xcd: {  	[tilespmem:s19], [sflag:$0x1] =	stream.indirect_vreg.gather [hbm4b:s6+s2], $0x80, v3, vm0, $0xb8;
	[tilespmem:$0x10080] =	vst v63  }
0xce: {  	_ =	swait.ge [sflag:s18], $0x10000  }
0xcf: {  	p0 =	sne.s32 s7, $0x1;
	[sflag:s18] =	ssyncset.done $0x0  }
.Ltmp0:
0xd0: {  	s1 =	rddreg [dreg:$0x6];
	[sflag:s18] =	ssyncadd.s32 $0xFFFF0000;
	(pc) =	sbr.rel @p0 .LBB2_1-.Ltmp0, $4  }
0xd1: {  	[hbm4b:s1+s2] =	stream.linear.scatter [tilespmem:s0], [sflag:$0x2], $0x10000, $0x38;
	[tilespmem:$0x10080] =	vst v63  }
0xd2: {  	_ =	swait.ge [sflag:s8], $0x10000  }
0xd3: {  	[sflag:s8] =	ssyncset.done $0x0  }
0xd4: {  	s7 =	sadd.s32 $0xFFFFFFFF, s7;
	[sflag:s8] =	ssyncadd.s32 $0xFFFF0000  }
0xd5: {  	_ =	sfence.sel $0x180000  }
0xd6: {  	[bflag:$0x0] =	sbarrier.arrive $0xFFFF  }
0xd7: {  	_ =	strace $0x9000004A  }
0xd8: {  	s0 =	stileid.u32;
	[bflag:$0x2] =	sbarrier.arrive $0xFFFF  }
0xd9: {  	p0 =	sne.s32 s0, $0x0;
	s0 =	rddreg [dreg:$0x2]  }
0xda: {  	s0 =	sadd.s32 @!p0 $0x100000, s0  }
0xdb: {  	[sflag:s0] =	ssyncadd.tile.s32 @!p0 $0x1;
	_ =	shalt  }
.Lfunc_end2:
_tile_overlayer_lowered:
.L_overlay_start_2:
0xdc: {  	(tag) =	ssettag $0x2  }
0xdd: {  	s0 =	rddreg [dreg:$0x0];
	s2 =	stileid.u32  }
0xde: {  	s1 =	rddreg [dreg:$0x1];
	p0 =	sne.s32 s2, $0x0  }
0xdf: {  	s3 =	rddreg [dreg:$0x2];
	[bflag:$0x3] =	sbarrier.arrive $0xFFFF;
	s2 =	simm.s32 @!p0 $0x1C02  }
0xe0: {  	[timem:s3], [sflag:s2] =	dma.local @!p0 [hbm:s0], s1  }
0xe1: {  	s0 =	simm.s32 @!p0 $0x2  }
0xe2: {  	_ =	swait.ge @!p0 [sflag:s0], s1  }
0xe3: {  	s1 =	ssub.s32 @!p0 $0x0, s1;
	[sflag:s0] =	ssyncset.done @!p0 $0x0  }
0xe4: {  	[sflag:s0] =	ssyncadd.s32 @!p0 s1  }
0xe5: {  	[bflag:$0x3] =	sbarrier.arrive $0xFFFF  }
0xe6: {  	_ =	shalt  }

// kernel: kernel.7.cloned.1.call-start
scs
__scs_entry_jumppad:
0x0: {  	(pc) =	sbr.rel $0x88, $3  }
0x1: {  	(tag) =	ssettag $0x0;
	lr =	simm.s32 $0x1  }
0x2: {  	[smem:$0x3F98] =	sst lr;
	_ =	strace $0xD0000000  }
0x3: {  	_ = 	snop  }
0x4: {  	_ = 	snop  }
0x5: {  	_ = 	snop  }
0x6: {  	_ = 	snop  }
0x7: {  	_ = 	snop  }
__scs_overlays_trampoline_lowered:
0x8: {  	[smem:$0x3FA7] =	sst s0  }
0x9: {  	[smem:$0x3FA8] =	sst s1  }
0xa: {  	[smem:$0x3FA9] =	sst s2  }
0xb: {  	[smem:$0x3FAA] =	sst s3  }
0xc: {  	[smem:$0x3FAB] =	sst s4  }
0xd: {  	[smem:$0x3FAC] =	sst s5  }
0xe: {  	[smem:$0x3FAD] =	sst s6  }
0xf: {  	[smem:$0x3FAE] =	sst s7  }
0x10: {  	[smem:$0x3FAF] =	sst s8  }
0x11: {  	[smem:$0x3FB0] =	sst s9;
	s0 =	simm.s32 @!p0 $0x0  }
0x12: {  	s1 =	sld [smem:$0x3F96];
	s0 =	simm.s32 @p0 $0x1  }
0x13: {  	[smem:$0x3FB1] =	sst s0;
	s0 =	simm.s32 @!p1 $0x0  }
0x14: {  	s2 =	sld [smem:$0x3F95];
	s0 =	simm.s32 @p1 $0x1  }
0x15: {  	[smem:$0x3FB2] =	sst s0;
	s0 =	simm.s32 @!p2 $0x0  }
0x16: {  	s3 =	sld [smem:$0x3FDB];
	s0 =	simm.s32 @p2 $0x1  }
0x17: {  	s4 =	simm.s32 $0x1BF5;
	[smem:$0x3FB4] =	sst s0  }
0x18: {  	s0 =	sld [smem:$0x3F97];
	_ =	swait.ge [sflag:s4], $0x0  }
0x19: {  	s7 =	sld [smem:$0x3F98]  }
0x1a: {  	s8 =	sadd.s32 $0xFFFFE003, lr  }
0x1b: {  	s9 =	sadd.s32 $0xFFFFFEF7, lr;
	s5 =	simm.s32 $0xFFFFFFFF;
	p2 =	slt.u32 s8, $0xFFFFF086  }
0x1c: {  	p1 =	slt.u32 s9, $0xF7A;
	s5 =	simm.s32 @!p2 $0x0  }
0x1d: {  	s5 =	simm.s32 @p1 $0x1;
	p0 =	seq.s32 s7, s2  }
0x1e: {  	s7 =	smul.u32 @!p0 $0xF7A, s2;
	p2 =	seq.s32 @!p0 s5, $0x0  }
0x1f: {  	s9 =	smul.u32 $0xF7A, s1;
	s8 =	simm.s32 @!p0 $0x1BF5;
	p2 =	por !p2, p0  }
0x20: {  	[sflag:s8] =	ssyncset.s32 @!p0 $0xFFFFF086;
	s6 =	sadd.s32 @!p0 s3, s7;
	s7 =	simm.s32 @!p0 $0x108  }
0x21: {  	s3 =	sadd.s32 s3, s9;
	s6 =	sadd.s32 @!p0 $0x88, s6;
	s7 =	simm.s32 @p2 $0x1082  }
0x22: {  	[simem:s7], [sflag:s8] =	dma.local @!p0 [hbm:s6], $0xF7A  }
0x23: {  	s9 =	sor.u32 $0xD0000000, s2;
	s6 =	simm.s32 $0x108;
	_ =	swait.ge @!p0 [sflag:s8], $0x0  }
0x24: {  	s3 =	sadd.s32 $0x88, s3;
	s6 =	simm.s32 @!p1 $0x1082;
	[sflag:s4] =	ssyncset.s32 $0xFFFFF086  }
0x25: {  	[simem:s6], [sflag:s4] =	dma.local [hbm:s3], $0xF7A  }
0x26: {  	[smem:$0x3F98] =	sst s1;
	(tag) =	ssettag s2;
	_ =	strace s9  }
0x27: {  	s1 =	sld [smem:$0x3FA8]  }
0x28: {  	s2 =	sld [smem:$0x3FA9]  }
0x29: {  	s4 =	sld [smem:$0x3FAB]  }
0x2a: {  	p0 =	seq.s32 s5, $0x0;
	s5 =	sld [smem:$0x3FAC]  }
0x2b: {  	s6 =	sld [smem:$0x3FAD]  }
0x2c: {  	s7 =	sld [smem:$0x3FAE]  }
0x2d: {  	s3 =	simm.s32 $0x108;
	s8 =	sld [smem:$0x3FAF]  }
0x2e: {  	s3 =	simm.s32 @!p0 $0x1082;
	s9 =	sld [smem:$0x3FB0]  }
0x2f: {  	lr =	sadd.s32 s0, s3;
	s0 =	sld [smem:$0x3FA7]  }
0x30: {  	s3 =	sld [smem:$0x3FAA]  }
0x31: {  	[smem:$0x3FB3] =	sst s10  }
0x32: {  	s10 =	sld [smem:$0x3FB1];
	_ =	sdelay $0x3  }
0x33: {  	p0 =	seq.s32 s10, $0x1;
	s10 =	sld [smem:$0x3FB3];
	_ =	sdelay $0x3  }
0x34: {  	[smem:$0x3FB3] =	sst s10  }
0x35: {  	s10 =	sld [smem:$0x3FB2];
	_ =	sdelay $0x3  }
0x36: {  	p1 =	seq.s32 s10, $0x1;
	s10 =	sld [smem:$0x3FB3];
	_ =	sdelay $0x3  }
0x37: {  	[smem:$0x3FB3] =	sst s10  }
0x38: {  	s10 =	sld [smem:$0x3FB4]  }
0x39: {  	_ = 	snop;
	(pc) =	sbr.ind lr, $3  }
0x3a: {  	_ = 	snop  }
0x3b: {  	_ = 	snop  }
0x3c: {  	p2 =	seq.s32 s10, $0x1;
	s10 =	sld [smem:$0x3FB3]  }
0x3d: {  	_ =	shalt  }
0x3e: {  	_ =	shalt  }
0x3f: {  	_ =	shalt  }
0x40: {  	_ =	shalt  }
0x41: {  	_ =	shalt  }
0x42: {  	_ =	shalt  }
0x43: {  	_ =	shalt  }
0x44: {  	_ =	shalt  }
0x45: {  	_ =	shalt  }
0x46: {  	_ =	shalt  }
0x47: {  	_ =	shalt  }
0x48: {  	_ =	shalt  }
0x49: {  	_ =	shalt  }
0x4a: {  	_ =	shalt  }
0x4b: {  	_ =	shalt  }
0x4c: {  	_ =	shalt  }
0x4d: {  	_ =	shalt  }
0x4e: {  	_ =	shalt  }
0x4f: {  	_ =	shalt  }
0x50: {  	_ =	shalt  }
0x51: {  	_ =	shalt  }
0x52: {  	_ =	shalt  }
0x53: {  	_ =	shalt  }
0x54: {  	_ =	shalt  }
0x55: {  	_ =	shalt  }
0x56: {  	_ =	shalt  }
0x57: {  	_ =	shalt  }
0x58: {  	_ =	shalt  }
0x59: {  	_ =	shalt  }
0x5a: {  	_ =	shalt  }
0x5b: {  	_ =	shalt  }
0x5c: {  	_ =	shalt  }
0x5d: {  	_ =	shalt  }
0x5e: {  	_ =	shalt  }
0x5f: {  	_ =	shalt  }
0x60: {  	_ =	shalt  }
0x61: {  	_ =	shalt  }
0x62: {  	_ =	shalt  }
0x63: {  	_ =	shalt  }
0x64: {  	_ =	shalt  }
0x65: {  	_ =	shalt  }
0x66: {  	_ =	shalt  }
0x67: {  	_ =	shalt  }
0x68: {  	_ =	shalt  }
0x69: {  	_ =	shalt  }
0x6a: {  	_ =	shalt  }
0x6b: {  	_ =	shalt  }
0x6c: {  	_ =	shalt  }
0x6d: {  	_ =	shalt  }
0x6e: {  	_ =	shalt  }
0x6f: {  	_ =	shalt  }
0x70: {  	_ =	shalt  }
0x71: {  	_ =	shalt  }
0x72: {  	_ =	shalt  }
0x73: {  	_ =	shalt  }
0x74: {  	_ =	shalt  }
0x75: {  	_ =	shalt  }
0x76: {  	_ =	shalt  }
0x77: {  	_ =	shalt  }
0x78: {  	_ =	shalt  }
0x79: {  	_ =	shalt  }
0x7a: {  	_ =	shalt  }
0x7b: {  	_ =	shalt  }
0x7c: {  	_ =	shalt  }
0x7d: {  	_ =	shalt  }
0x7e: {  	_ =	shalt  }
0x7f: {  	_ =	shalt  }
0x80: {  	_ =	shalt  }
0x81: {  	_ =	shalt  }
0x82: {  	_ =	shalt  }
0x83: {  	_ =	shalt  }
0x84: {  	_ =	shalt  }
0x85: {  	_ =	shalt  }
0x86: {  	_ =	shalt  }
0x87: {  	_ =	shalt  }
.Lfunc_end0:
.L_simem_size_0:
called_computation_lowered:
.L_overlay_start_0:
0x88: {  	s2 =	sld [smem:$0x3FD9]  }
0x89: {  	s3 =	sld [smem:$0x3FFE];
	_ =	sdelay $0x1  }
0x8a: {  	s1 =	srdreg.scid  }
0x8b: {  	s0 =	sand.u32 $0x1, s1  }
0x8c: {  	s17 =	sshll.u32 s0, $0xA;
	s2 =	sadd.s32 s3, s2  }
0x8d: {  	s2 =	sadd.s32 s2, s17  }
0x8e: {  	[smem:$0x3FBF] =	sst s2  }
0x8f: {  	_ = 	snop  }
0x90: {  	s2 =	sld [smem:$0x3FC9];
	(tm) =	ssettm $0x1  }
0x91: {  	s18 =	sld [smem:$0x3FFB];
	_ =	sdelay $0x3  }
0x92: {  	_ =	strace s18  }
0x93: {  	s3 =	sld [smem:$0x3FFC];
	_ =	sdelay $0x3  }
0x94: {  	_ =	strace s3  }
0x95: {  	s3 =	sld [smem:$0x3FFD];
	_ =	sdelay $0x3  }
0x96: {  	_ =	strace s3  }
0x97: {  	_ =	strace $0x8FFFFFFF  }
0x98: {  	s19 =	sld [smem:$0x3FDB];
	_ =	sdelay $0x1  }
0x99: {  	s4 =	simm.s32 $_scs_section_size  }
0x9a: {  	s5 =	simm.s32 $_size__tile_overlayer_lowered;
	s6 =	simm.s32 $_tile_overlayer_lowered  }
0x9b: {  	s22 =	simm.s32 $0x1BFF;
	s21 =	sshll.u32 s6, $0x1;
	s3 =	sadd.s32 s4, s19  }
0x9c: {  	s7 =	simm.s32 $0x0;
	s20 =	sshll.u32 s5, $0x1;
	s5 =	sadd.s32 s21, s3  }
0x9d: {  	[timem:s7], [sflag:s22] =	dma.local [hbm:s5], s20  }
0x9e: {  	_ =	swait.ge [sflag:s22], s20  }
0x9f: {  	s4 =	ssub.s32 $0x0, s20;
	[sflag:s22] =	ssyncset.done $0x0  }
0xa0: {  	[sflag:s22] =	ssyncadd.s32 s4;
	_ =	sdelay $0x1  }
0xa1: {  	s23 =	simm.s32 $0x1B8B  }
0xa2: {  	_ =	swait.ge [sflag:s23], $0x1  }
0xa3: {  	[sflag:s23] =	ssyncset.done $0x0  }
0xa4: {  	s25 =	simm.s32 $0x1B8E;
	s24 =	sld [smem:$0x3FFE];
	[sflag:s23] =	ssyncadd.s32 $0xFFFFFFFF  }
0xa5: {  	s26 =	simm.s32 $execute0_lowered;
	[smem:$0x3FD2] =	sst s25  }
0xa6: {  	s5 =	sshll.u32 s26, $0x1;
	_ =	strace $0x80000046;
	[dreg:$0x1] =	wrdreg $0xFFFFFFFF  }
0xa7: {  	s28 =	simm.s32 $_size_execute0_lowered;
	s3 =	sadd.s32 s3, s5;
	[dreg:$0x0] =	wrdreg $0x0  }
0xa8: {  	s5 =	sshll.u32 s28, $0x1;
	[dreg:$0x2] =	wrdreg s3  }
0xa9: {  	[dreg:$0x3] =	wrdreg s5  }
0xaa: {  	[dreg:$0x4] =	wrdreg $0xC0  }
0xab: {  	_ =	task [dreg:s7], $0x5FFFF  }
0xac: {  	[dreg:$0x1] =	wrdreg $0xFFFFFFFF  }
0xad: {  	[dreg:$0x0] =	wrdreg $0x60  }
0xae: {  	[dreg:$0x2] =	wrdreg s2  }
0xaf: {  	[dreg:$0x3] =	wrdreg s24  }
0xb0: {  	[dreg:$0x4] =	wrdreg $0x9  }
0xb1: {  	_ =	task.clear_ibuf [dreg:s7], $0x5FFFF;
	_ =	strace $0x90000046  }
0xb2: {  	s29 =	simm.s32 $0x9;
	_ =	strace $0x80000048  }
0xb3: {  	_ =	swait.ge [sflag:s29], $0x1  }
0xb4: {  	[sflag:s29] =	ssyncadd.s32 $0xFFFFFFFF  }
0xb5: {  	_ =	strace $0x90000048  }
0xb6: {  	_ =	sfence  }
0xb7: {  	s30 =	sld [smem:$0x0];
	_ =	sdelay $0x2  }
0xb8: {  	s31 =	sshll.u32 s1, $0xD;
	s1 =	sshrl.u32 s1, $0x2  }
0xb9: {  	s3 =	sand.u32 $0x4000, s31;
	s1 =	sadd.s32 s1, s30  }
0xba: {  	s0 =	sor.u32 s3, s0;
	s1 =	sshll.u32 s1, $0x11  }
0xbb: {  	s0 =	sor.u32 s1, s0  }
0xbc: {  	s0 =	sadd.s32 $0x8F2B, s0  }
0xbd: {  	[sflag:s0] =	ssyncadd.remote.s32 $0x1  }
0xbe: {  	_ =	sfence.sel $0xFFFF  }
0xbf: {  	[dreg:$0x0] =	wrdreg $0xFFFFFFFF;
	(pc) =	sbr.abs _section_cstart, $3  }
0xc0: {  	[dreg:$0x1] =	wrdreg $0xFFFFFFFF  }
0xc1: {  	_ =	task.clear_ibuf [dreg:s7], $0x2FFFF;
	_ =	strace $0x9FFFFFFF  }
0xc2: {  	(tm) =	ssettm $0x7FFFFFFF  }
0xc3: {  	_ =	shalt  }
tec
execute0_lowered:
.L_overlay_start_1:
0x0: {  	(tag) =	ssettag $0x1  }
0x1: {  	s1 =	rddreg [dreg:$0x0]  }
0x2: {  	s0 =	rddreg [dreg:$0x1];
	s2 =	srdreg.scid;
	s3 =	simm.s32 $0x0  }
0x3: {  	s4 =	stileid.u32;
	s2 =	sand.u32 $0x1, s2;
	[smem:$0x7FF] =	sst s3  }
0x4: {  	s4 =	sshll.u32 s4, $0x5;
	s9 =	sadd.s32 $0x1400, s0;
	s10 =	sadd.s32 $0x9800, s0  }
0x5: {  	s8 =	sadd.s32 $0x9B00, s0;
	s5 =	sshll.u32 s2, $0x4;
	s2 =	ssub.s32 $0x2, s2  }
0x6: {  	_ =	strace $0x80000047;
	s7 =	sor.u32 s5, s4;
	s31 =	sshrl.u32 s2, $0x1  }
0x7: {  	s5 =	sadd.s32 $0x100, s1;
	s4 =	sadd.s32 s9, s7;
	s6 =	sadd.s32 s10, s7  }
0x8: {  	s2 =	ssub.s32 s2, s31;
	s11 =	sor.u32 $0x8, s7;
	[dreg:$0x3] =	wrdreg s4  }
0x9: {  	s7 =	sadd.s32 $0x300, s1;
	s4 =	sadd.s32 $0x9A00, s0;
	[dreg:$0x4] =	wrdreg s6  }
0xa: {  	v2 =	vlaneseq.u32;
	s6 =	sadd.s32 $0x200, s1;
	s12 =	sadd.s32 s9, s11;
	s9 =	sadd.s32 $0x9C00, s0  }
0xb: {  	vm0 =	vmmov $0xffff;
	v1 =	vshrl.u32 v2, $0x3;
	s11 =	sadd.s32 s10, s11;
	s10 =	sadd.s32 $0x9D00, s0;
	[dreg:$0x5] =	wrdreg s12  }
0xc: {  	v0 =	vand.u32 $0x7, v2;
	v2 =	vor.u32 $0x8, v2;
	v1 =	vmul.u32 $0x8, v1;
	[dreg:$0x6] =	wrdreg s11;
	s11 =	smax.u32 s2, $0x1;
	s12 =	simm.s32 $0x3  }
.LBB2_1:
0xd: {  	s29 =	rddreg [dreg:$0x3]  }
0xe: {  	[tilespmem:s3], [sflag:$0x3] =	stream.linear.gather [hbm4b:s29+s3], $0x40, $0x38;
	[tilespmem:$0x10100] =	vst v63  }
0xf: {  	_ =	swait.ge [sflag:s12], $0x40  }
0x10: {  	[sflag:s12] =	ssyncset.done $0x0  }
0x11: {  	s0 =	simm.s32 $0x80;
	s21 =	rddreg [dreg:$0x4];
	[sflag:s12] =	ssyncadd.s32 $0xFFFFFFC0  }
0x12: {  	[tilespmem:s0], [sflag:$0x3] =	stream.linear.gather [hbm4b:s21+s3], $0x40, $0x38;
	[tilespmem:$0x10100] =	vst v63  }
0x13: {  	_ =	swait.ge [sflag:s12], $0x40  }
0x14: {  	[sflag:s12] =	ssyncset.done $0x0  }
0x15: {  	[sflag:s12] =	ssyncadd.s32 $0xFFFFFFC0  }
0x16: {  	v3 =	vld [tilespmem:$0x0];
	_ =	sdelay $0x4  }
0x17: {  	v4 =	vshll.u32 v3, $0x3  }
0x18: {  	v3 =	vand.u32 $0x7, v3;
	v4 =	vand.u32 $0xFFFFFFC0, v4  }
0x19: {  	v3 =	vor.u32 v3, v4  }
0x1a: {  	v4 =	vperm.xlane v3, v0;
	_ =	sdelay $0x1  }
0x1b: {  	v4 =	vadd.s32 v1, v4;
	_ =	sdelay $0x3  }
0x1c: {  	s22 =	simm.s32 $0x100  }
0x1d: {  	[tilespmem:s22], [sflag:$0x1] =	stream.indirect_vreg.gather [hbm4b:s1+s3], $0x80, v4, vm0, $0xb8;
	[tilespmem:$0x10100] =	vst v63  }
0x1e: {  	s23 =	simm.s32 $0x900;
	v3 =	vperm.xlane v3, v2  }
0x1f: {  	[tilespmem:s23], [sflag:$0x1] =	stream.indirect_vreg.gather [hbm4b:s5+s3], $0x80, v4, vm0, $0xb8;
	[tilespmem:$0x10100] =	vst v63  }
0x20: {  	s24 =	simm.s32 $0x1100;
	v3 =	vadd.s32 v1, v3  }
0x21: {  	[tilespmem:s24], [sflag:$0x1] =	stream.indirect_vreg.gather [hbm4b:s6+s3], $0x80, v4, vm0, $0xb8;
	[tilespmem:$0x10100] =	vst v63  }
0x22: {  	s25 =	simm.s32 $0x1900  }
0x23: {  	[tilespmem:s25], [sflag:$0x1] =	stream.indirect_vreg.gather [hbm4b:s7+s3], $0x80, v4, vm0, $0xb8;
	[tilespmem:$0x10100] =	vst v63  }
0x24: {  	s26 =	simm.s32 $0x2100  }
0x25: {  	[tilespmem:s26], [sflag:$0x1] =	stream.indirect_vreg.gather [hbm4b:s1+s3], $0x80, v3, vm0, $0xb8;
	[tilespmem:$0x10100] =	vst v63  }
0x26: {  	s28 =	simm.s32 $0x2900  }
0x27: {  	[tilespmem:s28], [sflag:$0x1] =	stream.indirect_vreg.gather [hbm4b:s5+s3], $0x80, v3, vm0, $0xb8;
	[tilespmem:$0x10100] =	vst v63  }
0x28: {  	s29 =	simm.s32 $0x3100  }
0x29: {  	[tilespmem:s29], [sflag:$0x1] =	stream.indirect_vreg.gather [hbm4b:s6+s3], $0x80, v3, vm0, $0xb8;
	[tilespmem:$0x10100] =	vst v63  }
0x2a: {  	s30 =	simm.s32 $0x3900  }
0x2b: {  	[tilespmem:s30], [sflag:$0x1] =	stream.indirect_vreg.gather [hbm4b:s7+s3], $0x80, v3, vm0, $0xb8;
	[tilespmem:$0x10100] =	vst v63  }
0x2c: {  	v3 =	vld [tilespmem:$0x10];
	_ =	sdelay $0x4  }
0x2d: {  	v49 =	vshll.u32 v3, $0x3  }
0x2e: {  	v3 =	vand.u32 $0x7, v3;
	v4 =	vand.u32 $0xFFFFFFC0, v49  }
0x2f: {  	v3 =	vor.u32 v3, v4  }
0x30: {  	v4 =	vperm.xlane v3, v0;
	_ =	sdelay $0x1  }
0x31: {  	v4 =	vadd.s32 v1, v4;
	_ =	sdelay $0x3  }
0x32: {  	s31 =	simm.s32 $0x4100  }
0x33: {  	[tilespmem:s31], [sflag:$0x1] =	stream.indirect_vreg.gather [hbm4b:s1+s3], $0x80, v4, vm0, $0xb8;
	[tilespmem:$0x10100] =	vst v63  }
0x34: {  	s13 =	simm.s32 $0x4900;
	v3 =	vperm.xlane v3, v2  }
0x35: {  	[tilespmem:s13], [sflag:$0x1] =	stream.indirect_vreg.gather [hbm4b:s5+s3], $0x80, v4, vm0, $0xb8;
	[tilespmem:$0x10100] =	vst v63  }
0x36: {  	s14 =	simm.s32 $0x5100;
	v3 =	vadd.s32 v1, v3  }
0x37: {  	[tilespmem:s14], [sflag:$0x1] =	stream.indirect_vreg.gather [hbm4b:s6+s3], $0x80, v4, vm0, $0xb8;
	[tilespmem:$0x10100] =	vst v63  }
0x38: {  	s15 =	simm.s32 $0x5900  }
0x39: {  	[tilespmem:s15], [sflag:$0x1] =	stream.indirect_vreg.gather [hbm4b:s7+s3], $0x80, v4, vm0, $0xb8;
	[tilespmem:$0x10100] =	vst v63  }
0x3a: {  	s19 =	simm.s32 $0x6100  }
0x3b: {  	[tilespmem:s19], [sflag:$0x1] =	stream.indirect_vreg.gather [hbm4b:s1+s3], $0x80, v3, vm0, $0xb8;
	[tilespmem:$0x10100] =	vst v63  }
0x3c: {  	s20 =	simm.s32 $0x6900  }
0x3d: {  	[tilespmem:s20], [sflag:$0x1] =	stream.indirect_vreg.gather [hbm4b:s5+s3], $0x80, v3, vm0, $0xb8;
	[tilespmem:$0x10100] =	vst v63  }
0x3e: {  	s21 =	simm.s32 $0x7100  }
0x3f: {  	[tilespmem:s21], [sflag:$0x1] =	stream.indirect_vreg.gather [hbm4b:s6+s3], $0x80, v3, vm0, $0xb8;
	[tilespmem:$0x10100] =	vst v63  }
0x40: {  	s29 =	simm.s32 $0x7900  }
0x41: {  	[tilespmem:s29], [sflag:$0x1] =	stream.indirect_vreg.gather [hbm4b:s7+s3], $0x80, v3, vm0, $0xb8;
	[tilespmem:$0x10100] =	vst v63  }
0x42: {  	v3 =	vld [tilespmem:$0x20];
	_ =	sdelay $0x4  }
0x43: {  	v50 =	vshll.u32 v3, $0x3  }
0x44: {  	v3 =	vand.u32 $0x7, v3;
	v4 =	vand.u32 $0xFFFFFFC0, v50  }
0x45: {  	v3 =	vor.u32 v3, v4  }
0x46: {  	v4 =	vperm.xlane v3, v0;
	_ =	sdelay $0x1  }
0x47: {  	v4 =	vadd.s32 v1, v4;
	_ =	sdelay $0x3  }
0x48: {  	s13 =	simm.s32 $0x8100  }
0x49: {  	[tilespmem:s13], [sflag:$0x1] =	stream.indirect_vreg.gather [hbm4b:s1+s3], $0x80, v4, vm0, $0xb8;
	[tilespmem:$0x10100] =	vst v63  }
0x4a: {  	s14 =	simm.s32 $0x8900;
	v3 =	vperm.xlane v3, v2  }
0x4b: {  	[tilespmem:s14], [sflag:$0x1] =	stream.indirect_vreg.gather [hbm4b:s5+s3], $0x80, v4, vm0, $0xb8;
	[tilespmem:$0x10100] =	vst v63  }
0x4c: {  	s15 =	simm.s32 $0x9100;
	v3 =	vadd.s32 v1, v3  }
0x4d: {  	[tilespmem:s15], [sflag:$0x1] =	stream.indirect_vreg.gather [hbm4b:s6+s3], $0x80, v4, vm0, $0xb8;
	[tilespmem:$0x10100] =	vst v63  }
0x4e: {  	s29 =	simm.s32 $0x9900  }
0x4f: {  	[tilespmem:s29], [sflag:$0x1] =	stream.indirect_vreg.gather [hbm4b:s7+s3], $0x80, v4, vm0, $0xb8;
	[tilespmem:$0x10100] =	vst v63  }
0x50: {  	s13 =	simm.s32 $0xA100  }
0x51: {  	[tilespmem:s13], [sflag:$0x1] =	stream.indirect_vreg.gather [hbm4b:s1+s3], $0x80, v3, vm0, $0xb8;
	[tilespmem:$0x10100] =	vst v63  }
0x52: {  	s14 =	simm.s32 $0xA900  }
0x53: {  	[tilespmem:s14], [sflag:$0x1] =	stream.indirect_vreg.gather [hbm4b:s5+s3], $0x80, v3, vm0, $0xb8;
	[tilespmem:$0x10100] =	vst v63  }
0x54: {  	s15 =	simm.s32 $0xB100  }
0x55: {  	[tilespmem:s15], [sflag:$0x1] =	stream.indirect_vreg.gather [hbm4b:s6+s3], $0x80, v3, vm0, $0xb8;
	[tilespmem:$0x10100] =	vst v63  }
0x56: {  	s13 =	simm.s32 $0xB900  }
0x57: {  	[tilespmem:s13], [sflag:$0x1] =	stream.indirect_vreg.gather [hbm4b:s7+s3], $0x80, v3, vm0, $0xb8;
	[tilespmem:$0x10100] =	vst v63  }
0x58: {  	v3 =	vld [tilespmem:$0x30];
	_ =	sdelay $0x4  }
0x59: {  	v51 =	vshll.u32 v3, $0x3  }
0x5a: {  	v3 =	vand.u32 $0x7, v3;
	v4 =	vand.u32 $0xFFFFFFC0, v51  }
0x5b: {  	v3 =	vor.u32 v3, v4  }
0x5c: {  	v4 =	vperm.xlane v3, v0;
	_ =	sdelay $0x1  }
0x5d: {  	v4 =	vadd.s32 v1, v4;
	_ =	sdelay $0x3  }
0x5e: {  	s14 =	simm.s32 $0xC100  }
0x5f: {  	[tilespmem:s14], [sflag:$0x1] =	stream.indirect_vreg.gather [hbm4b:s1+s3], $0x80, v4, vm0, $0xb8;
	[tilespmem:$0x10100] =	vst v63  }
0x60: {  	s15 =	simm.s32 $0xC900;
	v3 =	vperm.xlane v3, v2  }
0x61: {  	[tilespmem:s15], [sflag:$0x1] =	stream.indirect_vreg.gather [hbm4b:s5+s3], $0x80, v4, vm0, $0xb8;
	[tilespmem:$0x10100] =	vst v63  }
0x62: {  	s0 =	simm.s32 $0xD100;
	v3 =	vadd.s32 v1, v3  }
0x63: {  	[tilespmem:s0], [sflag:$0x1] =	stream.indirect_vreg.gather [hbm4b:s6+s3], $0x80, v4, vm0, $0xb8;
	[tilespmem:$0x10100] =	vst v63  }
0x64: {  	s0 =	simm.s32 $0xD900  }
0x65: {  	[tilespmem:s0], [sflag:$0x1] =	stream.indirect_vreg.gather [hbm4b:s7+s3], $0x80, v4, vm0, $0xb8;
	[tilespmem:$0x10100] =	vst v63  }
0x66: {  	s0 =	simm.s32 $0xE100  }
0x67: {  	[tilespmem:s0], [sflag:$0x1] =	stream.indirect_vreg.gather [hbm4b:s1+s3], $0x80, v3, vm0, $0xb8;
	[tilespmem:$0x10100] =	vst v63  }
0x68: {  	s0 =	simm.s32 $0xE900  }
0x69: {  	[tilespmem:s0], [sflag:$0x1] =	stream.indirect_vreg.gather [hbm4b:s5+s3], $0x80, v3, vm0, $0xb8;
	[tilespmem:$0x10100] =	vst v63  }
0x6a: {  	s0 =	simm.s32 $0xF100  }
0x6b: {  	[tilespmem:s0], [sflag:$0x1] =	stream.indirect_vreg.gather [hbm4b:s6+s3], $0x80, v3, vm0, $0xb8;
	[tilespmem:$0x10100] =	vst v63  }
0x6c: {  	s0 =	simm.s32 $0xF900  }
0x6d: {  	[tilespmem:s0], [sflag:$0x1] =	stream.indirect_vreg.gather [hbm4b:s7+s3], $0x80, v3, vm0, $0xb8;
	[tilespmem:$0x10100] =	vst v63  }
0x6e: {  	s0 =	simm.s32 $0x1  }
0x6f: {  	_ =	swait.ge [sflag:s0], $0x10000  }
0x70: {  	[sflag:s0] =	ssyncset.done $0x0  }
0x71: {  	[sflag:s0] =	ssyncadd.s32 $0xFFFF0000  }
0x72: {  	v3 =	vld [tilespmem:$0x80];
	_ =	sdelay $0x4  }
0x73: {  	v52 =	vshll.u32 v3, $0x3  }
0x74: {  	v3 =	vand.u32 $0x7, v3;
	v4 =	vand.u32 $0xFFFFFFC0, v52  }
0x75: {  	v3 =	vor.u32 v3, v4  }
0x76: {  	v4 =	vperm.xlane v3, v0;
	_ =	sdelay $0x1  }
0x77: {  	v4 =	vadd.s32 v1, v4;
	_ =	sdelay $0x3  }
0x78: {  	s22 =	simm.s32 $0x100  }
0x79: {  	[hbm4b:s4+s3] =	stream.indirect_vreg.scatter [tilespmem:s22], [sflag:$0x2], $0x80, v4, vm0, $0xb8;
	[tilespmem:$0x10100] =	vst v63  }
0x7a: {  	s2 =	simm.s32 $0x900;
	v3 =	vperm.xlane v3, v2  }
0x7b: {  	[hbm4b:s8+s3] =	stream.indirect_vreg.scatter [tilespmem:s2], [sflag:$0x2], $0x80, v4, vm0, $0xb8;
	[tilespmem:$0x10100] =	vst v63  }
0x7c: {  	v3 =	vadd.s32 v1, v3;
	s22 =	simm.s32 $0x1100  }
0x7d: {  	[hbm4b:s9+s3] =	stream.indirect_vreg.scatter [tilespmem:s22], [sflag:$0x2], $0x80, v4, vm0, $0xb8;
	[tilespmem:$0x10100] =	vst v63  }
0x7e: {  	s22 =	simm.s32 $0x1900  }
0x7f: {  	[hbm4b:s10+s3] =	stream.indirect_vreg.scatter [tilespmem:s22], [sflag:$0x2], $0x80, v4, vm0, $0xb8;
	[tilespmem:$0x10100] =	vst v63  }
0x80: {  	s23 =	simm.s32 $0x2100  }
0x81: {  	[hbm4b:s4+s3] =	stream.indirect_vreg.scatter [tilespmem:s23], [sflag:$0x2], $0x80, v3, vm0, $0xb8;
	[tilespmem:$0x10100] =	vst v63  }
0x82: {  	s24 =	simm.s32 $0x2900  }
0x83: {  	[hbm4b:s8+s3] =	stream.indirect_vreg.scatter [tilespmem:s24], [sflag:$0x2], $0x80, v3, vm0, $0xb8;
	[tilespmem:$0x10100] =	vst v63  }
0x84: {  	s25 =	simm.s32 $0x3100  }
0x85: {  	[hbm4b:s9+s3] =	stream.indirect_vreg.scatter [tilespmem:s25], [sflag:$0x2], $0x80, v3, vm0, $0xb8;
	[tilespmem:$0x10100] =	vst v63  }
0x86: {  	s16 =	simm.s32 $0x3900  }
0x87: {  	[hbm4b:s10+s3] =	stream.indirect_vreg.scatter [tilespmem:s16], [sflag:$0x2], $0x80, v3, vm0, $0xb8;
	[tilespmem:$0x10100] =	vst v63  }
0x88: {  	v3 =	vld [tilespmem:$0x90];
	_ =	sdelay $0x4  }
0x89: {  	v53 =	vshll.u32 v3, $0x3  }
0x8a: {  	v3 =	vand.u32 $0x7, v3;
	v4 =	vand.u32 $0xFFFFFFC0, v53  }
0x8b: {  	v3 =	vor.u32 v3, v4  }
0x8c: {  	v4 =	vperm.xlane v3, v0;
	_ =	sdelay $0x1  }
0x8d: {  	v4 =	vadd.s32 v1, v4;
	_ =	sdelay $0x3  }
0x8e: {  	s17 =	simm.s32 $0x4100  }
0x8f: {  	[hbm4b:s4+s3] =	stream.indirect_vreg.scatter [tilespmem:s17], [sflag:$0x2], $0x80, v4, vm0, $0xb8;
	[tilespmem:$0x10100] =	vst v63  }
0x90: {  	s18 =	simm.s32 $0x4900;
	v3 =	vperm.xlane v3, v2  }
0x91: {  	[hbm4b:s8+s3] =	stream.indirect_vreg.scatter [tilespmem:s18], [sflag:$0x2], $0x80, v4, vm0, $0xb8;
	[tilespmem:$0x10100] =	vst v63  }
0x92: {  	s26 =	simm.s32 $0x5100;
	v3 =	vadd.s32 v1, v3  }
0x93: {  	[hbm4b:s9+s3] =	stream.indirect_vreg.scatter [tilespmem:s26], [sflag:$0x2], $0x80, v4, vm0, $0xb8;
	[tilespmem:$0x10100] =	vst v63  }
0x94: {  	s28 =	simm.s32 $0x5900  }
0x95: {  	[hbm4b:s10+s3] =	stream.indirect_vreg.scatter [tilespmem:s28], [sflag:$0x2], $0x80, v4, vm0, $0xb8;
	[tilespmem:$0x10100] =	vst v63  }
0x96: {  	s30 =	simm.s32 $0x6100  }
0x97: {  	[hbm4b:s4+s3] =	stream.indirect_vreg.scatter [tilespmem:s30], [sflag:$0x2], $0x80, v3, vm0, $0xb8;
	[tilespmem:$0x10100] =	vst v63  }
0x98: {  	s31 =	simm.s32 $0x6900  }
0x99: {  	[hbm4b:s8+s3] =	stream.indirect_vreg.scatter [tilespmem:s31], [sflag:$0x2], $0x80, v3, vm0, $0xb8;
	[tilespmem:$0x10100] =	vst v63  }
0x9a: {  	s31 =	simm.s32 $0x7100  }
0x9b: {  	[hbm4b:s9+s3] =	stream.indirect_vreg.scatter [tilespmem:s31], [sflag:$0x2], $0x80, v3, vm0, $0xb8;
	[tilespmem:$0x10100] =	vst v63  }
0x9c: {  	s19 =	simm.s32 $0x7900  }
0x9d: {  	[hbm4b:s10+s3] =	stream.indirect_vreg.scatter [tilespmem:s19], [sflag:$0x2], $0x80, v3, vm0, $0xb8;
	[tilespmem:$0x10100] =	vst v63  }
0x9e: {  	v3 =	vld [tilespmem:$0xA0];
	_ =	sdelay $0x4  }
0x9f: {  	v54 =	vshll.u32 v3, $0x3  }
0xa0: {  	v3 =	vand.u32 $0x7, v3;
	v4 =	vand.u32 $0xFFFFFFC0, v54  }
0xa1: {  	v3 =	vor.u32 v3, v4  }
0xa2: {  	v4 =	vperm.xlane v3, v0;
	_ =	sdelay $0x1  }
0xa3: {  	v4 =	vadd.s32 v1, v4;
	_ =	sdelay $0x3  }
0xa4: {  	s20 =	simm.s32 $0x8100  }
0xa5: {  	[hbm4b:s4+s3] =	stream.indirect_vreg.scatter [tilespmem:s20], [sflag:$0x2], $0x80, v4, vm0, $0xb8;
	[tilespmem:$0x10100] =	vst v63  }
0xa6: {  	s21 =	simm.s32 $0x8900;
	v3 =	vperm.xlane v3, v2  }
0xa7: {  	[hbm4b:s8+s3] =	stream.indirect_vreg.scatter [tilespmem:s21], [sflag:$0x2], $0x80, v4, vm0, $0xb8;
	[tilespmem:$0x10100] =	vst v63  }
0xa8: {  	s16 =	simm.s32 $0x9100;
	v3 =	vadd.s32 v1, v3  }
0xa9: {  	[hbm4b:s9+s3] =	stream.indirect_vreg.scatter [tilespmem:s16], [sflag:$0x2], $0x80, v4, vm0, $0xb8;
	[tilespmem:$0x10100] =	vst v63  }
0xaa: {  	s29 =	simm.s32 $0x9900  }
0xab: {  	[hbm4b:s10+s3] =	stream.indirect_vreg.scatter [tilespmem:s29], [sflag:$0x2], $0x80, v4, vm0, $0xb8;
	[tilespmem:$0x10100] =	vst v63  }
0xac: {  	s18 =	simm.s32 $0xA100  }
0xad: {  	[hbm4b:s4+s3] =	stream.indirect_vreg.scatter [tilespmem:s18], [sflag:$0x2], $0x80, v3, vm0, $0xb8;
	[tilespmem:$0x10100] =	vst v63  }
0xae: {  	s19 =	simm.s32 $0xA900  }
0xaf: {  	[hbm4b:s8+s3] =	stream.indirect_vreg.scatter [tilespmem:s19], [sflag:$0x2], $0x80, v3, vm0, $0xb8;
	[tilespmem:$0x10100] =	vst v63  }
0xb0: {  	s21 =	simm.s32 $0xB100  }
0xb1: {  	[hbm4b:s9+s3] =	stream.indirect_vreg.scatter [tilespmem:s21], [sflag:$0x2], $0x80, v3, vm0, $0xb8;
	[tilespmem:$0x10100] =	vst v63  }
0xb2: {  	s13 =	simm.s32 $0xB900  }
0xb3: {  	[hbm4b:s10+s3] =	stream.indirect_vreg.scatter [tilespmem:s13], [sflag:$0x2], $0x80, v3, vm0, $0xb8;
	[tilespmem:$0x10100] =	vst v63  }
0xb4: {  	v3 =	vld [tilespmem:$0xB0];
	_ =	sdelay $0x4  }
0xb5: {  	v55 =	vshll.u32 v3, $0x3  }
0xb6: {  	v3 =	vand.u32 $0x7, v3;
	v4 =	vand.u32 $0xFFFFFFC0, v55  }
0xb7: {  	v3 =	vor.u32 v3, v4  }
0xb8: {  	v4 =	vperm.xlane v3, v0;
	_ =	sdelay $0x1  }
0xb9: {  	v4 =	vadd.s32 v1, v4;
	_ =	sdelay $0x3  }
0xba: {  	s14 =	simm.s32 $0xC100  }
0xbb: {  	[hbm4b:s4+s3] =	stream.indirect_vreg.scatter [tilespmem:s14], [sflag:$0x2], $0x80, v4, vm0, $0xb8;
	[tilespmem:$0x10100] =	vst v63  }
0xbc: {  	s15 =	simm.s32 $0xC900;
	v3 =	vperm.xlane v3, v2  }
0xbd: {  	[hbm4b:s8+s3] =	stream.indirect_vreg.scatter [tilespmem:s15], [sflag:$0x2], $0x80, v4, vm0, $0xb8;
	[tilespmem:$0x10100] =	vst v63  }
0xbe: {  	s22 =	simm.s32 $0xD100;
	v3 =	vadd.s32 v1, v3  }
0xbf: {  	[hbm4b:s9+s3] =	stream.indirect_vreg.scatter [tilespmem:s22], [sflag:$0x2], $0x80, v4, vm0, $0xb8;
	[tilespmem:$0x10100] =	vst v63  }
0xc0: {  	s23 =	simm.s32 $0xD900  }
0xc1: {  	[hbm4b:s10+s3] =	stream.indirect_vreg.scatter [tilespmem:s23], [sflag:$0x2], $0x80, v4, vm0, $0xb8;
	[tilespmem:$0x10100] =	vst v63  }
0xc2: {  	s24 =	simm.s32 $0xE100  }
0xc3: {  	[hbm4b:s4+s3] =	stream.indirect_vreg.scatter [tilespmem:s24], [sflag:$0x2], $0x80, v3, vm0, $0xb8;
	[tilespmem:$0x10100] =	vst v63  }
0xc4: {  	s28 =	simm.s32 $0xE900  }
0xc5: {  	[hbm4b:s8+s3] =	stream.indirect_vreg.scatter [tilespmem:s28], [sflag:$0x2], $0x80, v3, vm0, $0xb8;
	[tilespmem:$0x10100] =	vst v63  }
0xc6: {  	s29 =	simm.s32 $0xF100  }
0xc7: {  	[hbm4b:s9+s3] =	stream.indirect_vreg.scatter [tilespmem:s29], [sflag:$0x2], $0x80, v3, vm0, $0xb8;
	[tilespmem:$0x10100] =	vst v63  }
0xc8: {  	s2 =	simm.s32 $0x2;
	s30 =	simm.s32 $0xF900  }
0xc9: {  	[hbm4b:s10+s3] =	stream.indirect_vreg.scatter [tilespmem:s30], [sflag:$0x2], $0x80, v3, vm0, $0xb8;
	[tilespmem:$0x10100] =	vst v63  }
0xca: {  	_ =	swait.ge [sflag:s2], $0x10000  }
0xcb: {  	[sflag:s2] =	ssyncset.done $0x0  }
0xcc: {  	s13 =	rddreg [dreg:$0x5];
	[sflag:s2] =	ssyncadd.s32 $0xFFFF0000  }
0xcd: {  	[tilespmem:s3], [sflag:$0x3] =	stream.linear.gather [hbm4b:s13+s3], $0x40, $0x38;
	[tilespmem:$0x10100] =	vst v63  }
0xce: {  	_ =	swait.ge [sflag:s12], $0x40  }
0xcf: {  	[sflag:s12] =	ssyncset.done $0x0  }
0xd0: {  	s15 =	simm.s32 $0x80;
	s14 =	rddreg [dreg:$0x6];
	[sflag:s12] =	ssyncadd.s32 $0xFFFFFFC0  }
0xd1: {  	[tilespmem:s15], [sflag:$0x3] =	stream.linear.gather [hbm4b:s14+s3], $0x40, $0x38;
	[tilespmem:$0x10100] =	vst v63  }
0xd2: {  	_ =	swait.ge [sflag:s12], $0x40  }
0xd3: {  	[sflag:s12] =	ssyncset.done $0x0  }
0xd4: {  	[sflag:s12] =	ssyncadd.s32 $0xFFFFFFC0  }
0xd5: {  	v3 =	vld [tilespmem:$0x0];
	_ =	sdelay $0x4  }
0xd6: {  	v56 =	vshll.u32 v3, $0x3  }
0xd7: {  	v3 =	vand.u32 $0x7, v3;
	v4 =	vand.u32 $0xFFFFFFC0, v56  }
0xd8: {  	v3 =	vor.u32 v3, v4  }
0xd9: {  	v4 =	vperm.xlane v3, v0;
	_ =	sdelay $0x1  }
0xda: {  	v4 =	vadd.s32 v1, v4;
	_ =	sdelay $0x3  }
0xdb: {  	s16 =	simm.s32 $0x100  }
0xdc: {  	[tilespmem:s16], [sflag:$0x1] =	stream.indirect_vreg.gather [hbm4b:s1+s3], $0x80, v4, vm0, $0xb8;
	[tilespmem:$0x10100] =	vst v63  }
0xdd: {  	s18 =	simm.s32 $0x900;
	v3 =	vperm.xlane v3, v2  }
0xde: {  	[tilespmem:s18], [sflag:$0x1] =	stream.indirect_vreg.gather [hbm4b:s5+s3], $0x80, v4, vm0, $0xb8;
	[tilespmem:$0x10100] =	vst v63  }
0xdf: {  	s29 =	simm.s32 $0x1100;
	v3 =	vadd.s32 v1, v3  }
0xe0: {  	[tilespmem:s29], [sflag:$0x1] =	stream.indirect_vreg.gather [hbm4b:s6+s3], $0x80, v4, vm0, $0xb8;
	[tilespmem:$0x10100] =	vst v63  }
0xe1: {  	s23 =	simm.s32 $0x1900  }
0xe2: {  	[tilespmem:s23], [sflag:$0x1] =	stream.indirect_vreg.gather [hbm4b:s7+s3], $0x80, v4, vm0, $0xb8;
	[tilespmem:$0x10100] =	vst v63  }
0xe3: {  	s13 =	simm.s32 $0x2100  }
0xe4: {  	[tilespmem:s13], [sflag:$0x1] =	stream.indirect_vreg.gather [hbm4b:s1+s3], $0x80, v3, vm0, $0xb8;
	[tilespmem:$0x10100] =	vst v63  }
0xe5: {  	s16 =	simm.s32 $0x2900  }
0xe6: {  	[tilespmem:s16], [sflag:$0x1] =	stream.indirect_vreg.gather [hbm4b:s5+s3], $0x80, v3, vm0, $0xb8;
	[tilespmem:$0x10100] =	vst v63  }
0xe7: {  	s18 =	simm.s32 $0x3100  }
0xe8: {  	[tilespmem:s18], [sflag:$0x1] =	stream.indirect_vreg.gather [hbm4b:s6+s3], $0x80, v3, vm0, $0xb8;
	[tilespmem:$0x10100] =	vst v63  }
0xe9: {  	s28 =	simm.s32 $0x3900  }
0xea: {  	[tilespmem:s28], [sflag:$0x1] =	stream.indirect_vreg.gather [hbm4b:s7+s3], $0x80, v3, vm0, $0xb8;
	[tilespmem:$0x10100] =	vst v63  }
0xeb: {  	v3 =	vld [tilespmem:$0x10];
	_ =	sdelay $0x4  }
0xec: {  	v57 =	vshll.u32 v3, $0x3  }
0xed: {  	v3 =	vand.u32 $0x7, v3;
	v4 =	vand.u32 $0xFFFFFFC0, v57  }
0xee: {  	v3 =	vor.u32 v3, v4  }
0xef: {  	v4 =	vperm.xlane v3, v0;
	_ =	sdelay $0x1  }
0xf0: {  	v4 =	vadd.s32 v1, v4;
	_ =	sdelay $0x3  }
0xf1: {  	s17 =	simm.s32 $0x4100  }
0xf2: {  	[tilespmem:s17], [sflag:$0x1] =	stream.indirect_vreg.gather [hbm4b:s1+s3], $0x80, v4, vm0, $0xb8;
	[tilespmem:$0x10100] =	vst v63  }
0xf3: {  	s30 =	simm.s32 $0x4900;
	v3 =	vperm.xlane v3, v2  }
0xf4: {  	[tilespmem:s30], [sflag:$0x1] =	stream.indirect_vreg.gather [hbm4b:s5+s3], $0x80, v4, vm0, $0xb8;
	[tilespmem:$0x10100] =	vst v63  }
0xf5: {  	s26 =	simm.s32 $0x5100;
	v3 =	vadd.s32 v1, v3  }
0xf6: {  	[tilespmem:s26], [sflag:$0x1] =	stream.indirect_vreg.gather [hbm4b:s6+s3], $0x80, v4, vm0, $0xb8;
	[tilespmem:$0x10100] =	vst v63  }
0xf7: {  	s14 =	simm.s32 $0x5900  }
0xf8: {  	[tilespmem:s14], [sflag:$0x1] =	stream.indirect_vreg.gather [hbm4b:s7+s3], $0x80, v4, vm0, $0xb8;
	[tilespmem:$0x10100] =	vst v63  }
0xf9: {  	s14 =	simm.s32 $0x6100  }
0xfa: {  	[tilespmem:s14], [sflag:$0x1] =	stream.indirect_vreg.gather [hbm4b:s1+s3], $0x80, v3, vm0, $0xb8;
	[tilespmem:$0x10100] =	vst v63  }
0xfb: {  	s17 =	simm.s32 $0x6900  }
0xfc: {  	[tilespmem:s17], [sflag:$0x1] =	stream.indirect_vreg.gather [hbm4b:s5+s3], $0x80, v3, vm0, $0xb8;
	[tilespmem:$0x10100] =	vst v63  }
0xfd: {  	s15 =	simm.s32 $0x7100  }
0xfe: {  	[tilespmem:s15], [sflag:$0x1] =	stream.indirect_vreg.gather [hbm4b:s6+s3], $0x80, v3, vm0, $0xb8;
	[tilespmem:$0x10100] =	vst v63  }
0xff: {  	s26 =	simm.s32 $0x7900  }
0x100: {  	[tilespmem:s26], [sflag:$0x1] =	stream.indirect_vreg.gather [hbm4b:s7+s3], $0x80, v3, vm0, $0xb8;
	[tilespmem:$0x10100] =	vst v63  }
0x101: {  	v3 =	vld [tilespmem:$0x20];
	_ =	sdelay $0x4  }
0x102: {  	v58 =	vshll.u32 v3, $0x3  }
0x103: {  	v3 =	vand.u32 $0x7, v3;
	v4 =	vand.u32 $0xFFFFFFC0, v58  }
0x104: {  	v3 =	vor.u32 v3, v4  }
0x105: {  	v4 =	vperm.xlane v3, v0;
	_ =	sdelay $0x1  }
0x106: {  	v4 =	vadd.s32 v1, v4;
	_ =	sdelay $0x3  }
0x107: {  	s20 =	simm.s32 $0x8100  }
0x108: {  	[tilespmem:s20], [sflag:$0x1] =	stream.indirect_vreg.gather [hbm4b:s1+s3], $0x80, v4, vm0, $0xb8;
	[tilespmem:$0x10100] =	vst v63  }
0x109: {  	s26 =	simm.s32 $0x8900;
	v3 =	vperm.xlane v3, v2  }
0x10a: {  	[tilespmem:s26], [sflag:$0x1] =	stream.indirect_vreg.gather [hbm4b:s5+s3], $0x80, v4, vm0, $0xb8;
	[tilespmem:$0x10100] =	vst v63  }
0x10b: {  	v3 =	vadd.s32 v1, v3;
	s20 =	simm.s32 $0x9100  }
0x10c: {  	[tilespmem:s20], [sflag:$0x1] =	stream.indirect_vreg.gather [hbm4b:s6+s3], $0x80, v4, vm0, $0xb8;
	[tilespmem:$0x10100] =	vst v63  }
0x10d: {  	s31 =	simm.s32 $0x9900  }
0x10e: {  	[tilespmem:s31], [sflag:$0x1] =	stream.indirect_vreg.gather [hbm4b:s7+s3], $0x80, v4, vm0, $0xb8;
	[tilespmem:$0x10100] =	vst v63  }
0x10f: {  	s15 =	simm.s32 $0xA100  }
0x110: {  	[tilespmem:s15], [sflag:$0x1] =	stream.indirect_vreg.gather [hbm4b:s1+s3], $0x80, v3, vm0, $0xb8;
	[tilespmem:$0x10100] =	vst v63  }
0x111: {  	s20 =	simm.s32 $0xA900  }
0x112: {  	[tilespmem:s20], [sflag:$0x1] =	stream.indirect_vreg.gather [hbm4b:s5+s3], $0x80, v3, vm0, $0xb8;
	[tilespmem:$0x10100] =	vst v63  }
0x113: {  	s19 =	simm.s32 $0xB100  }
0x114: {  	[tilespmem:s19], [sflag:$0x1] =	stream.indirect_vreg.gather [hbm4b:s6+s3], $0x80, v3, vm0, $0xb8;
	[tilespmem:$0x10100] =	vst v63  }
0x115: {  	s15 =	simm.s32 $0xB900  }
0x116: {  	[tilespmem:s15], [sflag:$0x1] =	stream.indirect_vreg.gather [hbm4b:s7+s3], $0x80, v3, vm0, $0xb8;
	[tilespmem:$0x10100] =	vst v63  }
0x117: {  	v3 =	vld [tilespmem:$0x30];
	_ =	sdelay $0x4  }
0x118: {  	v59 =	vshll.u32 v3, $0x3  }
0x119: {  	v3 =	vand.u32 $0x7, v3;
	v4 =	vand.u32 $0xFFFFFFC0, v59  }
0x11a: {  	v3 =	vor.u32 v3, v4  }
0x11b: {  	v4 =	vperm.xlane v3, v0;
	_ =	sdelay $0x1  }
0x11c: {  	v4 =	vadd.s32 v1, v4;
	_ =	sdelay $0x3  }
0x11d: {  	s19 =	simm.s32 $0xC100  }
0x11e: {  	[tilespmem:s19], [sflag:$0x1] =	stream.indirect_vreg.gather [hbm4b:s1+s3], $0x80, v4, vm0, $0xb8;
	[tilespmem:$0x10100] =	vst v63  }
0x11f: {  	s20 =	simm.s32 $0xC900;
	v3 =	vperm.xlane v3, v2  }
0x120: {  	[tilespmem:s20], [sflag:$0x1] =	stream.indirect_vreg.gather [hbm4b:s5+s3], $0x80, v4, vm0, $0xb8;
	[tilespmem:$0x10100] =	vst v63  }
0x121: {  	s25 =	simm.s32 $0xD100;
	v3 =	vadd.s32 v1, v3  }
0x122: {  	[tilespmem:s25], [sflag:$0x1] =	stream.indirect_vreg.gather [hbm4b:s6+s3], $0x80, v4, vm0, $0xb8;
	[tilespmem:$0x10100] =	vst v63  }
0x123: {  	s21 =	simm.s32 $0xD900  }
0x124: {  	[tilespmem:s21], [sflag:$0x1] =	stream.indirect_vreg.gather [hbm4b:s7+s3], $0x80, v4, vm0, $0xb8;
	[tilespmem:$0x10100] =	vst v63  }
0x125: {  	s24 =	simm.s32 $0xE100  }
0x126: {  	[tilespmem:s24], [sflag:$0x1] =	stream.indirect_vreg.gather [hbm4b:s1+s3], $0x80, v3, vm0, $0xb8;
	[tilespmem:$0x10100] =	vst v63  }
0x127: {  	s24 =	simm.s32 $0xE900  }
0x128: {  	[tilespmem:s24], [sflag:$0x1] =	stream.indirect_vreg.gather [hbm4b:s5+s3], $0x80, v3, vm0, $0xb8;
	[tilespmem:$0x10100] =	vst v63  }
0x129: {  	s22 =	simm.s32 $0xF100  }
0x12a: {  	[tilespmem:s22], [sflag:$0x1] =	stream.indirect_vreg.gather [hbm4b:s6+s3], $0x80, v3, vm0, $0xb8;
	[tilespmem:$0x10100] =	vst v63  }
0x12b: {  	s24 =	simm.s32 $0xF900  }
0x12c: {  	[tilespmem:s24], [sflag:$0x1] =	stream.indirect_vreg.gather [hbm4b:s7+s3], $0x80, v3, vm0, $0xb8;
	[tilespmem:$0x10100] =	vst v63  }
0x12d: {  	_ =	swait.ge [sflag:s0], $0x10000  }
0x12e: {  	[sflag:s0] =	ssyncset.done $0x0  }
0x12f: {  	[sflag:s0] =	ssyncadd.s32 $0xFFFF0000  }
0x130: {  	v3 =	vld [tilespmem:$0x80];
	_ =	sdelay $0x4  }
0x131: {  	v60 =	vshll.u32 v3, $0x3  }
0x132: {  	v3 =	vand.u32 $0x7, v3;
	v4 =	vand.u32 $0xFFFFFFC0, v60  }
0x133: {  	v3 =	vor.u32 v3, v4  }
0x134: {  	v4 =	vperm.xlane v3, v0;
	_ =	sdelay $0x1  }
0x135: {  	v4 =	vadd.s32 v1, v4;
	_ =	sdelay $0x3  }
0x136: {  	s0 =	simm.s32 $0x100  }
0x137: {  	[hbm4b:s4+s3] =	stream.indirect_vreg.scatter [tilespmem:s0], [sflag:$0x2], $0x80, v4, vm0, $0xb8;
	[tilespmem:$0x10100] =	vst v63  }
0x138: {  	v3 =	vperm.xlane v3, v2;
	s0 =	simm.s32 $0x900  }
0x139: {  	[hbm4b:s8+s3] =	stream.indirect_vreg.scatter [tilespmem:s0], [sflag:$0x2], $0x80, v4, vm0, $0xb8;
	[tilespmem:$0x10100] =	vst v63  }
0x13a: {  	v3 =	vadd.s32 v1, v3  }
0x13b: {  	[hbm4b:s9+s3] =	stream.indirect_vreg.scatter [tilespmem:s29], [sflag:$0x2], $0x80, v4, vm0, $0xb8;
	[tilespmem:$0x10100] =	vst v63  }
0x13c: {  	s23 =	simm.s32 $0x1900  }
0x13d: {  	[hbm4b:s10+s3] =	stream.indirect_vreg.scatter [tilespmem:s23], [sflag:$0x2], $0x80, v4, vm0, $0xb8;
	[tilespmem:$0x10100] =	vst v63  }
0x13e: {  	_ = 	snop  }
0x13f: {  	[hbm4b:s4+s3] =	stream.indirect_vreg.scatter [tilespmem:s13], [sflag:$0x2], $0x80, v3, vm0, $0xb8;
	[tilespmem:$0x10100] =	vst v63  }
0x140: {  	_ = 	snop  }
0x141: {  	[hbm4b:s8+s3] =	stream.indirect_vreg.scatter [tilespmem:s16], [sflag:$0x2], $0x80, v3, vm0, $0xb8;
	[tilespmem:$0x10100] =	vst v63  }
0x142: {  	_ = 	snop  }
0x143: {  	[hbm4b:s9+s3] =	stream.indirect_vreg.scatter [tilespmem:s18], [sflag:$0x2], $0x80, v3, vm0, $0xb8;
	[tilespmem:$0x10100] =	vst v63  }
0x144: {  	s23 =	simm.s32 $0x3900  }
0x145: {  	[hbm4b:s10+s3] =	stream.indirect_vreg.scatter [tilespmem:s23], [sflag:$0x2], $0x80, v3, vm0, $0xb8;
	[tilespmem:$0x10100] =	vst v63  }
0x146: {  	v3 =	vld [tilespmem:$0x90];
	_ =	sdelay $0x4  }
0x147: {  	v61 =	vshll.u32 v3, $0x3  }
0x148: {  	v3 =	vand.u32 $0x7, v3;
	v4 =	vand.u32 $0xFFFFFFC0, v61  }
0x149: {  	v3 =	vor.u32 v3, v4  }
0x14a: {  	v4 =	vperm.xlane v3, v0;
	_ =	sdelay $0x1  }
0x14b: {  	v4 =	vadd.s32 v1, v4;
	_ =	sdelay $0x3  }
0x14c: {  	s29 =	simm.s32 $0x4100  }
0x14d: {  	[hbm4b:s4+s3] =	stream.indirect_vreg.scatter [tilespmem:s29], [sflag:$0x2], $0x80, v4, vm0, $0xb8;
	[tilespmem:$0x10100] =	vst v63  }
0x14e: {  	s13 =	simm.s32 $0x4900;
	v3 =	vperm.xlane v3, v2  }
0x14f: {  	[hbm4b:s8+s3] =	stream.indirect_vreg.scatter [tilespmem:s13], [sflag:$0x2], $0x80, v4, vm0, $0xb8;
	[tilespmem:$0x10100] =	vst v63  }
0x150: {  	s28 =	simm.s32 $0x5100;
	v3 =	vadd.s32 v1, v3  }
0x151: {  	[hbm4b:s9+s3] =	stream.indirect_vreg.scatter [tilespmem:s28], [sflag:$0x2], $0x80, v4, vm0, $0xb8;
	[tilespmem:$0x10100] =	vst v63  }
0x152: {  	s30 =	simm.s32 $0x5900  }
0x153: {  	[hbm4b:s10+s3] =	stream.indirect_vreg.scatter [tilespmem:s30], [sflag:$0x2], $0x80, v4, vm0, $0xb8;
	[tilespmem:$0x10100] =	vst v63  }
0x154: {  	_ = 	snop  }
0x155: {  	[hbm4b:s4+s3] =	stream.indirect_vreg.scatter [tilespmem:s14], [sflag:$0x2], $0x80, v3, vm0, $0xb8;
	[tilespmem:$0x10100] =	vst v63  }
0x156: {  	_ = 	snop  }
0x157: {  	[hbm4b:s8+s3] =	stream.indirect_vreg.scatter [tilespmem:s17], [sflag:$0x2], $0x80, v3, vm0, $0xb8;
	[tilespmem:$0x10100] =	vst v63  }
0x158: {  	s14 =	simm.s32 $0x7100  }
0x159: {  	[hbm4b:s9+s3] =	stream.indirect_vreg.scatter [tilespmem:s14], [sflag:$0x2], $0x80, v3, vm0, $0xb8;
	[tilespmem:$0x10100] =	vst v63  }
0x15a: {  	s16 =	simm.s32 $0x7900  }
0x15b: {  	[hbm4b:s10+s3] =	stream.indirect_vreg.scatter [tilespmem:s16], [sflag:$0x2], $0x80, v3, vm0, $0xb8;
	[tilespmem:$0x10100] =	vst v63  }
0x15c: {  	v3 =	vld [tilespmem:$0xA0];
	_ =	sdelay $0x4  }
0x15d: {  	v62 =	vshll.u32 v3, $0x3  }
0x15e: {  	v3 =	vand.u32 $0x7, v3;
	v4 =	vand.u32 $0xFFFFFFC0, v62  }
0x15f: {  	v3 =	vor.u32 v3, v4  }
0x160: {  	v4 =	vperm.xlane v3, v0;
	_ =	sdelay $0x1  }
0x161: {  	v4 =	vadd.s32 v1, v4;
	_ =	sdelay $0x3  }
0x162: {  	s17 =	simm.s32 $0x8100  }
0x163: {  	[hbm4b:s4+s3] =	stream.indirect_vreg.scatter [tilespmem:s17], [sflag:$0x2], $0x80, v4, vm0, $0xb8;
	[tilespmem:$0x10100] =	vst v63  }
0x164: {  	s18 =	simm.s32 $0x8900;
	v3 =	vperm.xlane v3, v2  }
0x165: {  	[hbm4b:s8+s3] =	stream.indirect_vreg.scatter [tilespmem:s18], [sflag:$0x2], $0x80, v4, vm0, $0xb8;
	[tilespmem:$0x10100] =	vst v63  }
0x166: {  	s23 =	simm.s32 $0x9100;
	v3 =	vadd.s32 v1, v3  }
0x167: {  	[hbm4b:s9+s3] =	stream.indirect_vreg.scatter [tilespmem:s23], [sflag:$0x2], $0x80, v4, vm0, $0xb8;
	[tilespmem:$0x10100] =	vst v63  }
0x168: {  	s31 =	simm.s32 $0x9900  }
0x169: {  	[hbm4b:s10+s3] =	stream.indirect_vreg.scatter [tilespmem:s31], [sflag:$0x2], $0x80, v4, vm0, $0xb8;
	[tilespmem:$0x10100] =	vst v63  }
0x16a: {  	s28 =	simm.s32 $0xA100  }
0x16b: {  	[hbm4b:s4+s3] =	stream.indirect_vreg.scatter [tilespmem:s28], [sflag:$0x2], $0x80, v3, vm0, $0xb8;
	[tilespmem:$0x10100] =	vst v63  }
0x16c: {  	s29 =	simm.s32 $0xA900  }
0x16d: {  	[hbm4b:s8+s3] =	stream.indirect_vreg.scatter [tilespmem:s29], [sflag:$0x2], $0x80, v3, vm0, $0xb8;
	[tilespmem:$0x10100] =	vst v63  }
0x16e: {  	s30 =	simm.s32 $0xB100  }
0x16f: {  	[hbm4b:s9+s3] =	stream.indirect_vreg.scatter [tilespmem:s30], [sflag:$0x2], $0x80, v3, vm0, $0xb8;
	[tilespmem:$0x10100] =	vst v63  }
0x170: {  	_ = 	snop  }
0x171: {  	[hbm4b:s10+s3] =	stream.indirect_vreg.scatter [tilespmem:s15], [sflag:$0x2], $0x80, v3, vm0, $0xb8;
	[tilespmem:$0x10100] =	vst v63  }
0x172: {  	v3 =	vld [tilespmem:$0xB0];
	_ =	sdelay $0x4  }
0x173: {  	v63 =	vshll.u32 v3, $0x3  }
0x174: {  	v3 =	vand.u32 $0x7, v3;
	v4 =	vand.u32 $0xFFFFFFC0, v63  }
0x175: {  	v3 =	vor.u32 v3, v4  }
0x176: {  	v4 =	vperm.xlane v3, v0;
	_ =	sdelay $0x1  }
0x177: {  	v4 =	vadd.s32 v1, v4;
	_ =	sdelay $0x4  }
0x178: {  	[hbm4b:s4+s3] =	stream.indirect_vreg.scatter [tilespmem:s19], [sflag:$0x2], $0x80, v4, vm0, $0xb8;
	[tilespmem:$0x10100] =	vst v63  }
0x179: {  	v3 =	vperm.xlane v3, v2  }
0x17a: {  	[hbm4b:s8+s3] =	stream.indirect_vreg.scatter [tilespmem:s20], [sflag:$0x2], $0x80, v4, vm0, $0xb8;
	[tilespmem:$0x10100] =	vst v63  }
0x17b: {  	s26 =	simm.s32 $0xD100;
	v3 =	vadd.s32 v1, v3  }
0x17c: {  	[hbm4b:s9+s3] =	stream.indirect_vreg.scatter [tilespmem:s26], [sflag:$0x2], $0x80, v4, vm0, $0xb8;
	[tilespmem:$0x10100] =	vst v63  }
0x17d: {  	s21 =	simm.s32 $0xD900  }
0x17e: {  	[hbm4b:s10+s3] =	stream.indirect_vreg.scatter [tilespmem:s21], [sflag:$0x2], $0x80, v4, vm0, $0xb8;
	[tilespmem:$0x10100] =	vst v63  }
0x17f: {  	s25 =	simm.s32 $0xE100  }
0x180: {  	[hbm4b:s4+s3] =	stream.indirect_vreg.scatter [tilespmem:s25], [sflag:$0x2], $0x80, v3, vm0, $0xb8;
	[tilespmem:$0x10100] =	vst v63  }
0x181: {  	s31 =	simm.s32 $0xE900  }
0x182: {  	[hbm4b:s8+s3] =	stream.indirect_vreg.scatter [tilespmem:s31], [sflag:$0x2], $0x80, v3, vm0, $0xb8;
	[tilespmem:$0x10100] =	vst v63  }
0x183: {  	p0 =	sne.s32 s11, $0x1;
	s22 =	simm.s32 $0xF100  }
0x184: {  	[hbm4b:s9+s3] =	stream.indirect_vreg.scatter [tilespmem:s22], [sflag:$0x2], $0x80, v3, vm0, $0xb8;
	[tilespmem:$0x10100] =	vst v63  }
.Ltmp0:
0x185: {  	s24 =	simm.s32 $0xF900;
	(pc) =	sbr.rel @p0 .LBB2_1-.Ltmp0, $4  }
0x186: {  	[hbm4b:s10+s3] =	stream.indirect_vreg.scatter [tilespmem:s24], [sflag:$0x2], $0x80, v3, vm0, $0xb8;
	[tilespmem:$0x10100] =	vst v63  }
0x187: {  	_ =	swait.ge [sflag:s2], $0x10000  }
0x188: {  	[sflag:s2] =	ssyncset.done $0x0  }
0x189: {  	s11 =	sadd.s32 $0xFFFFFFFF, s11;
	[sflag:s2] =	ssyncadd.s32 $0xFFFF0000  }
0x18a: {  	_ =	sfence.sel $0x180000  }
0x18b: {  	[bflag:$0x0] =	sbarrier.arrive $0xFFFF  }
0x18c: {  	_ =	strace $0x90000047  }
0x18d: {  	s0 =	stileid.u32;
	[bflag:$0x2] =	sbarrier.arrive $0xFFFF  }
0x18e: {  	p0 =	sne.s32 s0, $0x0;
	s0 =	rddreg [dreg:$0x2]  }
0x18f: {  	s0 =	sadd.s32 @!p0 $0x100000, s0  }
0x190: {  	[sflag:s0] =	ssyncadd.tile.s32 @!p0 $0x1;
	_ =	shalt  }
.Lfunc_end2:
_tile_overlayer_lowered:
.L_overlay_start_2:
0x191: {  	(tag) =	ssettag $0x2  }
0x192: {  	s0 =	rddreg [dreg:$0x0];
	s2 =	stileid.u32  }
0x193: {  	s1 =	rddreg [dreg:$0x1];
	p0 =	sne.s32 s2, $0x0  }
0x194: {  	s3 =	rddreg [dreg:$0x2];
	[bflag:$0x3] =	sbarrier.arrive $0xFFFF;
	s2 =	simm.s32 @!p0 $0x1C03  }
0x195: {  	[timem:s3], [sflag:s2] =	dma.local @!p0 [hbm:s0], s1  }
0x196: {  	s0 =	simm.s32 @!p0 $0x3  }
0x197: {  	_ =	swait.ge @!p0 [sflag:s0], s1  }
0x198: {  	s1 =	ssub.s32 @!p0 $0x0, s1;
	[sflag:s0] =	ssyncset.done @!p0 $0x0  }
0x199: {  	[sflag:s0] =	ssyncadd.s32 @!p0 s1  }
0x19a: {  	[bflag:$0x3] =	sbarrier.arrive $0xFFFF  }
0x19b: {  	_ =	shalt  }

</sc_bundles>
